<compile_context>
chip_gen: v7x
topology: tpu7x:2x2x1
jax: 0.10.2.dev20260603
libtpu: 0.0.44.dev20260713+nightly
codegen_flags: <defaults>
</compile_context>

<pallas_src>
import functools

import jax
import jax.numpy as jnp
import numpy as np
from jax import lax
from jax.experimental import pallas as pl
from jax.experimental.pallas import tpu as pltpu
from jax.experimental.pallas import tpu_sc as plsc

_EMBED_DIM = 1024
_MAX_LENGTH = 4096
_SEQ_LEN = 4096

_NUM_CORES = 2
_NUM_SUBCORES = 16
_NUM_WORKERS = _NUM_CORES * _NUM_SUBCORES
_LANES = 16
_COLS = _EMBED_DIM // _LANES

_SC_ROWS = 1024
_TC_ROWS = _SEQ_LEN - _SC_ROWS


def _pe_shifted_np() -> np.ndarray:
    d_model, max_len = _EMBED_DIM, _MAX_LENGTH
    position = np.arange(max_len, dtype=np.float64)[:, None]
    div_term = np.exp(
        np.arange(0, d_model, 2, dtype=np.float64) * (-np.log(10000.0) / d_model)
    )
    pe = np.zeros((max_len, d_model), dtype=np.float64)
    pe[:, 0::2] = np.sin(position * div_term)
    pe[:, 1::2] = np.cos(position * div_term)
    out = np.zeros((_SEQ_LEN, d_model), dtype=np.float64)
    out[1:] = pe[: _SEQ_LEN - 1]
    return out.astype(np.float32)


_PE_SHIFTED = _pe_shifted_np()


def _sc_body(bin_hbm, table_hbm, pe_hbm, out_hbm,
             bin_v, tab_v, buf0, buf1, sem_pe0, sem_pe1, sem_o0, sem_o1,
             *, rows_per_worker, chunk):
    steps = rows_per_worker // chunk
    wid = lax.axis_index("s") * _NUM_CORES + lax.axis_index("c")
    base = wid * rows_per_worker

    pltpu.sync_copy(bin_hbm.at[pl.ds(base, rows_per_worker)], bin_v)
    pltpu.sync_copy(table_hbm, tab_v)

    bufs = (buf0, buf1)
    pe_sems = (sem_pe0, sem_pe1)
    out_sems = (sem_o0, sem_o1)

    def step_compute(buf, t):
        for g in range(chunk // 16):
            bv = bin_v[pl.ds(t * chunk + g * 16, 16)].astype(jnp.float32)
            bfs = [jnp.full((16,), bv[r]) for r in range(16)]

            def col_body(c, carry, _bfs=bfs, _g=g):
                sl = pl.ds(c * _LANES, _LANES)
                e0 = tab_v[0, sl]
                d = tab_v[1, sl] - e0
                for r in range(16):
                    row = _g * 16 + r
                    buf[row, sl] = (buf[row, sl] + e0) + _bfs[r] * d
                return carry

            lax.fori_loop(0, _COLS, col_body, 0)

    cp_pe = [None] * steps
    cp_out = [None] * steps
    cp_pe[0] = pltpu.async_copy(
        pe_hbm.at[pl.ds(base, chunk)], bufs[0], pe_sems[0])
    for t in range(steps):
        p = t & 1
        if t + 1 < steps:
            if t >= 1:
                cp_out[t - 1].wait()
            cp_pe[t + 1] = pltpu.async_copy(
                pe_hbm.at[pl.ds(base + (t + 1) * chunk, chunk)],
                bufs[1 - p], pe_sems[1 - p])
        cp_pe[t].wait()
        step_compute(bufs[p], t)
        cp_out[t] = pltpu.async_copy(
            bufs[p], out_hbm.at[pl.ds(base + t * chunk, chunk)], out_sems[p])
    cp_out[steps - 2].wait()
    cp_out[steps - 1].wait()


def _encode_sc(binary, embed_table, pe, n_rows, chunk):
    rows_per_worker = n_rows // _NUM_WORKERS
    mesh = plsc.VectorSubcoreMesh(core_axis_name="c", subcore_axis_name="s")
    body = functools.partial(
        _sc_body, rows_per_worker=rows_per_worker, chunk=chunk)
    f = pl.kernel(
        body,
        mesh=mesh,
        out_type=jax.ShapeDtypeStruct((n_rows, _EMBED_DIM), jnp.float32),
        scratch_types=[
            pltpu.VMEM((rows_per_worker,), jnp.int32),
            pltpu.VMEM((2, _EMBED_DIM), jnp.float32),
            pltpu.VMEM((chunk, _EMBED_DIM), jnp.float32),
            pltpu.VMEM((chunk, _EMBED_DIM), jnp.float32),
            pltpu.SemaphoreType.DMA,
            pltpu.SemaphoreType.DMA,
            pltpu.SemaphoreType.DMA,
            pltpu.SemaphoreType.DMA,
        ],
    )
    return f(binary, embed_table, pe)


_TC_BLOCK = 256
_TC_GRID = _TC_ROWS // _TC_BLOCK


_TC_BLOCK0 = _SC_ROWS // _TC_BLOCK


def _tc_body(bin_ref, tab_ref, pe_ref, out_ref):
    b = bin_ref[...].astype(jnp.float32)
    e0 = tab_ref[0, :][None, :]
    d = tab_ref[1, :][None, :] - e0
    outer = lax.dot_general(
        b, d, (((0,), (0,)), ((), ())),
        preferred_element_type=jnp.float32,
        precision=lax.Precision.HIGHEST)
    out_ref[...] = pe_ref[...] + e0 + outer


def _encode_tc(binary, embed_table, pe):
    return pl.pallas_call(
        _tc_body,
        grid=(_TC_GRID,),
        in_specs=[
            pl.BlockSpec((1, _TC_BLOCK), lambda i: (0, i + _TC_BLOCK0)),
            pl.BlockSpec((2, _EMBED_DIM), lambda i: (0, 0)),
            pl.BlockSpec((_TC_BLOCK, _EMBED_DIM), lambda i: (i + _TC_BLOCK0, 0)),
        ],
        out_specs=pl.BlockSpec((_TC_BLOCK, _EMBED_DIM),
                               lambda i: (i + _TC_BLOCK0, 0)),
        out_shape=jax.ShapeDtypeStruct((_SEQ_LEN, _EMBED_DIM), jnp.float32),
    )(binary.reshape(1, _SEQ_LEN), embed_table, pe)


@jax.jit
def _encode(binary, embed_table, pe_sc, pe):
    out_sc = _encode_sc(binary, embed_table, pe_sc, _SC_ROWS, 16)
    out_tc = _encode_tc(binary, embed_table, pe)
    return lax.dynamic_update_slice(out_tc, out_sc, (0, 0))


def kernel(binary, embed_table):
    pe_sc = jnp.asarray(_PE_SHIFTED[:_SC_ROWS])
    pe = jnp.asarray(_PE_SHIFTED)
    return _encode(binary, embed_table, pe_sc, pe)

# --- scband reference (transcript-rebuilt; emitter-appended) ---
"""Pipeline reference for scband-binary-encoder-88295937671593 (READ-ONLY COPY).

The authoritative reference and input builder live on the scoring server;
editing this copy changes nothing except your own understanding.
"""

import jax, jax.numpy as jnp
import numpy as np

EMBED_DIM = 1024
MAX_LENGTH = 4096
NUM_EMBED = 2
SEQ_LEN = 4096


def create_position_encoding(d_model, max_len):
    position = np.arange(max_len, dtype=np.float64)[:, None]
    div_term = np.exp(np.arange(0, d_model, 2, dtype=np.float64) * (-np.log(10000.0) / d_model))
    pe = np.zeros((max_len, d_model), dtype=np.float64)
    pe[:, 0::2] = np.sin(position * div_term)
    pe[:, 1::2] = np.cos(position * div_term)
    return jnp.asarray(pe, dtype=jnp.float32)


def setup_inputs(seed: int = 0) -> dict:
    key = jax.random.key(seed)
    k_idx, k_tab = jax.random.split(key)
    binary = jax.random.randint(k_idx, (SEQ_LEN,), 0, NUM_EMBED, dtype=jnp.int32)
    # nn.Embedding default init: N(0, 1)
    embed_table = jax.random.normal(k_tab, (NUM_EMBED, EMBED_DIM), dtype=jnp.float32)
    return {"binary": binary, "embed_table": embed_table}


def reference(binary, embed_table):
    b_len = binary.shape[0]
    pe = create_position_encoding(EMBED_DIM, MAX_LENGTH)
    # embedding gather (SparseCore-mappable)
    embeddings = jnp.take(embed_table, binary, axis=0)
    # output[1:] += pos_encoding[:b_len-1, :]  (in-place add -> functional .at add)
    output = embeddings.at[1:].add(pe[: b_len - 1, :])
    return output

if __name__ == "__main__":
    import jax
    _d = setup_inputs()
    print(jax.jit(kernel)(*tuple(_d.values())))

</pallas_src>

<mosaic_0001>
#map = affine_map<(d0, d1) -> (0)>
#map1 = affine_map<(d0, d1) -> (0, 0)>
module attributes {stable_mosaic.version = 14 : i64} {
  func.func @_sc_body(%arg0: i32, %arg1: i32, %arg2: memref<4096xi32, #tpu.memory_space<hbm>>, %arg3: memref<2x1024xf32, #tpu.memory_space<hbm>>, %arg4: memref<1024x1024xf32, #tpu.memory_space<hbm>>, %arg5: memref<1024x1024xf32, #tpu.memory_space<hbm>>, %arg6: memref<32xi32, #tpu.memory_space<vmem>>, %arg7: memref<2x1024xf32, #tpu.memory_space<vmem>>, %arg8: memref<16x1024xf32, #tpu.memory_space<vmem>>, %arg9: memref<16x1024xf32, #tpu.memory_space<vmem>>, %arg10: memref<!tpu.dma_semaphore, #tpu.memory_space<semaphore_mem>>, %arg11: memref<!tpu.dma_semaphore, #tpu.memory_space<semaphore_mem>>, %arg12: memref<!tpu.dma_semaphore, #tpu.memory_space<semaphore_mem>>, %arg13: memref<!tpu.dma_semaphore, #tpu.memory_space<semaphore_mem>>) attributes {dimension_semantics = [#tpu.dimension_semantics<core_parallel>, #tpu.dimension_semantics<subcore_parallel>], iteration_bounds = array<i64: 2, 16>, scalar_prefetch = 0 : i64, scratch_operands = 8 : i64, tpu.core_type = #tpu.core_type<sc_vector_subcore>, window_params = [{transform_indices = #map}, {transform_indices = #map1}, {transform_indices = #map1}, {transform_indices = #map1}]} {
    %mul3A = arith.constant 2 : i32
    %mul3A_0 = arith.muli %arg1, %mul3A : i32
    %add3A = arith.addi %mul3A_0, %arg0 : i32
    %mul3A_1 = arith.constant 32 : i32
    %mul3A_2 = arith.muli %add3A, %mul3A_1 : i32
    "tpu.region"() ({
      %run_scoped3A = tpu.sem_alloc : memref<!tpu.dma_semaphore, #tpu.memory_space<semaphore_mem>>
      %dma_start3A_149 = tpu.memref_slice %arg2[%mul3A_2] : memref<4096xi32, #tpu.memory_space<hbm>> -> memref<32xi32, #tpu.memory_space<hbm>>
      %dma_start3A_150 = tpu.memref_slice %arg2[%mul3A_2] : memref<4096xi32, #tpu.memory_space<hbm>> -> memref<32xi32, #tpu.memory_space<hbm>>
      tpu.enqueue_dma source(%dma_start3A_150 : memref<32xi32, #tpu.memory_space<hbm>>) target(%arg6 : memref<32xi32, #tpu.memory_space<vmem>>) target_semaphore(%run_scoped3A : memref<!tpu.dma_semaphore, #tpu.memory_space<semaphore_mem>>)
      %dma_wait3A_151 = tpu.memref_slice %arg2[%mul3A_2] : memref<4096xi32, #tpu.memory_space<hbm>> -> memref<32xi32, #tpu.memory_space<hbm>>
      %dma_wait3A_152 = tpu.memref_slice %arg2[%mul3A_2] : memref<4096xi32, #tpu.memory_space<hbm>> -> memref<32xi32, #tpu.memory_space<hbm>>
      tpu.wait_dma2 semaphore(%run_scoped3A : memref<!tpu.dma_semaphore, #tpu.memory_space<semaphore_mem>>) src(%dma_wait3A_152 : memref<32xi32, #tpu.memory_space<hbm>>) dst(%arg6 : memref<32xi32, #tpu.memory_space<vmem>>)
      tpu.yield
    }) : () -> ()
    "tpu.region"() ({
      %run_scoped3A = tpu.sem_alloc : memref<!tpu.dma_semaphore, #tpu.memory_space<semaphore_mem>>
      tpu.enqueue_dma source(%arg3 : memref<2x1024xf32, #tpu.memory_space<hbm>>) target(%arg7 : memref<2x1024xf32, #tpu.memory_space<vmem>>) target_semaphore(%run_scoped3A : memref<!tpu.dma_semaphore, #tpu.memory_space<semaphore_mem>>)
      tpu.wait_dma2 semaphore(%run_scoped3A : memref<!tpu.dma_semaphore, #tpu.memory_space<semaphore_mem>>) src(%arg3 : memref<2x1024xf32, #tpu.memory_space<hbm>>) dst(%arg7 : memref<2x1024xf32, #tpu.memory_space<vmem>>)
      tpu.yield
    }) : () -> ()
    %dma_start3A = arith.constant 0 : i32
    %dma_start3A_3 = tpu.memref_slice %arg4[%mul3A_2, %dma_start3A] : memref<1024x1024xf32, #tpu.memory_space<hbm>> -> memref<16x1024xf32, #tpu.memory_space<hbm>>
    %dma_start3A_4 = arith.constant 0 : i32
    %dma_start3A_5 = tpu.memref_slice %arg4[%mul3A_2, %dma_start3A_4] : memref<1024x1024xf32, #tpu.memory_space<hbm>> -> memref<16x1024xf32, #tpu.memory_space<hbm>>
    tpu.enqueue_dma source(%dma_start3A_5 : memref<16x1024xf32, #tpu.memory_space<hbm>>) target(%arg8 : memref<16x1024xf32, #tpu.memory_space<vmem>>) target_semaphore(%arg10 : memref<!tpu.dma_semaphore, #tpu.memory_space<semaphore_mem>>)
    %add3A_6 = arith.constant 16 : i32
    %add3A_7 = arith.addi %mul3A_2, %add3A_6 : i32
    %dma_start3A_8 = arith.constant 0 : i32
    %dma_start3A_9 = tpu.memref_slice %arg4[%add3A_7, %dma_start3A_8] : memref<1024x1024xf32, #tpu.memory_space<hbm>> -> memref<16x1024xf32, #tpu.memory_space<hbm>>
    %dma_start3A_10 = arith.constant 0 : i32
    %dma_start3A_11 = tpu.memref_slice %arg4[%add3A_7, %dma_start3A_10] : memref<1024x1024xf32, #tpu.memory_space<hbm>> -> memref<16x1024xf32, #tpu.memory_space<hbm>>
    tpu.enqueue_dma source(%dma_start3A_11 : memref<16x1024xf32, #tpu.memory_space<hbm>>) target(%arg9 : memref<16x1024xf32, #tpu.memory_space<vmem>>) target_semaphore(%arg11 : memref<!tpu.dma_semaphore, #tpu.memory_space<semaphore_mem>>)
    %dma_wait3A = arith.constant 0 : i32
    %dma_wait3A_12 = tpu.memref_slice %arg4[%mul3A_2, %dma_wait3A] : memref<1024x1024xf32, #tpu.memory_space<hbm>> -> memref<16x1024xf32, #tpu.memory_space<hbm>>
    %dma_wait3A_13 = arith.constant 0 : i32
    %dma_wait3A_14 = tpu.memref_slice %arg4[%mul3A_2, %dma_wait3A_13] : memref<1024x1024xf32, #tpu.memory_space<hbm>> -> memref<16x1024xf32, #tpu.memory_space<hbm>>
    tpu.wait_dma2 semaphore(%arg10 : memref<!tpu.dma_semaphore, #tpu.memory_space<semaphore_mem>>) src(%dma_wait3A_14 : memref<16x1024xf32, #tpu.memory_space<hbm>>) dst(%arg8 : memref<16x1024xf32, #tpu.memory_space<vmem>>)
    %get3A = arith.constant 0 : index
    %get3A_15 = tpu.vector_load %arg6[%get3A] {strides = array<i32>} : memref<32xi32, #tpu.memory_space<vmem>>, vector<16xi32>,
    %get3A_16 = vector.shape_cast %get3A_15 : vector<16xi32> to vector<16xi32>
    %convert_element_type3A = arith.sitofp %get3A_16 : vector<16xi32> to vector<16xf32>
    %slice3A = vector.extract_strided_slice %convert_element_type3A {offsets = [0], sizes = [1], strides = [1]} : vector<16xf32> to vector<1xf32>
    %squeeze3A = vector.extract %slice3A[0] : f32 from vector<1xf32>
    %broadcast_in_dim3A = vector.broadcast %squeeze3A : f32 to vector<16xf32>
    %slice3A_17 = vector.extract_strided_slice %convert_element_type3A {offsets = [1], sizes = [1], strides = [1]} : vector<16xf32> to vector<1xf32>
    %squeeze3A_18 = vector.extract %slice3A_17[0] : f32 from vector<1xf32>
    %broadcast_in_dim3A_19 = vector.broadcast %squeeze3A_18 : f32 to vector<16xf32>
    %slice3A_20 = vector.extract_strided_slice %convert_element_type3A {offsets = [2], sizes = [1], strides = [1]} : vector<16xf32> to vector<1xf32>
    %squeeze3A_21 = vector.extract %slice3A_20[0] : f32 from vector<1xf32>
    %broadcast_in_dim3A_22 = vector.broadcast %squeeze3A_21 : f32 to vector<16xf32>
    %slice3A_23 = vector.extract_strided_slice %convert_element_type3A {offsets = [3], sizes = [1], strides = [1]} : vector<16xf32> to vector<1xf32>
    %squeeze3A_24 = vector.extract %slice3A_23[0] : f32 from vector<1xf32>
    %broadcast_in_dim3A_25 = vector.broadcast %squeeze3A_24 : f32 to vector<16xf32>
    %slice3A_26 = vector.extract_strided_slice %convert_element_type3A {offsets = [4], sizes = [1], strides = [1]} : vector<16xf32> to vector<1xf32>
    %squeeze3A_27 = vector.extract %slice3A_26[0] : f32 from vector<1xf32>
    %broadcast_in_dim3A_28 = vector.broadcast %squeeze3A_27 : f32 to vector<16xf32>
    %slice3A_29 = vector.extract_strided_slice %convert_element_type3A {offsets = [5], sizes = [1], strides = [1]} : vector<16xf32> to vector<1xf32>
    %squeeze3A_30 = vector.extract %slice3A_29[0] : f32 from vector<1xf32>
    %broadcast_in_dim3A_31 = vector.broadcast %squeeze3A_30 : f32 to vector<16xf32>
    %slice3A_32 = vector.extract_strided_slice %convert_element_type3A {offsets = [6], sizes = [1], strides = [1]} : vector<16xf32> to vector<1xf32>
    %squeeze3A_33 = vector.extract %slice3A_32[0] : f32 from vector<1xf32>
    %broadcast_in_dim3A_34 = vector.broadcast %squeeze3A_33 : f32 to vector<16xf32>
    %slice3A_35 = vector.extract_strided_slice %convert_element_type3A {offsets = [7], sizes = [1], strides = [1]} : vector<16xf32> to vector<1xf32>
    %squeeze3A_36 = vector.extract %slice3A_35[0] : f32 from vector<1xf32>
    %broadcast_in_dim3A_37 = vector.broadcast %squeeze3A_36 : f32 to vector<16xf32>
    %slice3A_38 = vector.extract_strided_slice %convert_element_type3A {offsets = [8], sizes = [1], strides = [1]} : vector<16xf32> to vector<1xf32>
    %squeeze3A_39 = vector.extract %slice3A_38[0] : f32 from vector<1xf32>
    %broadcast_in_dim3A_40 = vector.broadcast %squeeze3A_39 : f32 to vector<16xf32>
    %slice3A_41 = vector.extract_strided_slice %convert_element_type3A {offsets = [9], sizes = [1], strides = [1]} : vector<16xf32> to vector<1xf32>
    %squeeze3A_42 = vector.extract %slice3A_41[0] : f32 from vector<1xf32>
    %broadcast_in_dim3A_43 = vector.broadcast %squeeze3A_42 : f32 to vector<16xf32>
    %slice3A_44 = vector.extract_strided_slice %convert_element_type3A {offsets = [10], sizes = [1], strides = [1]} : vector<16xf32> to vector<1xf32>
    %squeeze3A_45 = vector.extract %slice3A_44[0] : f32 from vector<1xf32>
    %broadcast_in_dim3A_46 = vector.broadcast %squeeze3A_45 : f32 to vector<16xf32>
    %slice3A_47 = vector.extract_strided_slice %convert_element_type3A {offsets = [11], sizes = [1], strides = [1]} : vector<16xf32> to vector<1xf32>
    %squeeze3A_48 = vector.extract %slice3A_47[0] : f32 from vector<1xf32>
    %broadcast_in_dim3A_49 = vector.broadcast %squeeze3A_48 : f32 to vector<16xf32>
    %slice3A_50 = vector.extract_strided_slice %convert_element_type3A {offsets = [12], sizes = [1], strides = [1]} : vector<16xf32> to vector<1xf32>
    %squeeze3A_51 = vector.extract %slice3A_50[0] : f32 from vector<1xf32>
    %broadcast_in_dim3A_52 = vector.broadcast %squeeze3A_51 : f32 to vector<16xf32>
    %slice3A_53 = vector.extract_strided_slice %convert_element_type3A {offsets = [13], sizes = [1], strides = [1]} : vector<16xf32> to vector<1xf32>
    %squeeze3A_54 = vector.extract %slice3A_53[0] : f32 from vector<1xf32>
    %broadcast_in_dim3A_55 = vector.broadcast %squeeze3A_54 : f32 to vector<16xf32>
    %slice3A_56 = vector.extract_strided_slice %convert_element_type3A {offsets = [14], sizes = [1], strides = [1]} : vector<16xf32> to vector<1xf32>
    %squeeze3A_57 = vector.extract %slice3A_56[0] : f32 from vector<1xf32>
    %broadcast_in_dim3A_58 = vector.broadcast %squeeze3A_57 : f32 to vector<16xf32>
    %slice3A_59 = vector.extract_strided_slice %convert_element_type3A {offsets = [15], sizes = [1], strides = [1]} : vector<16xf32> to vector<1xf32>
    %squeeze3A_60 = vector.extract %slice3A_59[0] : f32 from vector<1xf32>
    %broadcast_in_dim3A_61 = vector.broadcast %squeeze3A_60 : f32 to vector<16xf32>
    %scan3A = arith.constant 0 : i32
    %scan3A_62 = arith.constant 0 : i32
    %scan3A_63 = arith.constant 64 : i32
    %scan3A_64 = arith.addi %scan3A_62, %scan3A_63 : i32
    %scan3A_65 = arith.constant 1 : i32
    scf.for %scan3A_149 = %scan3A_62 to %scan3A_64 step %scan3A_65  : i32 {
      %mul3A_150 = arith.constant 16 : i32
      %mul3A_151 = arith.muli %scan3A_149, %mul3A_150 : i32
      %get3A_152 = arith.constant 0 : i32
      %get3A_153 = arith.index_cast %get3A_152 : i32 to index
      %get3A_154 = arith.index_cast %mul3A_151 : i32 to index
      %get3A_155 = tpu.vector_load %arg7[%get3A_153, %get3A_154] {strides = array<i32>} : memref<2x1024xf32, #tpu.memory_space<vmem>>, vector<1x16xf32>,
      %get3A_156 = vector.shape_cast %get3A_155 : vector<1x16xf32> to vector<16xf32>
      %get3A_157 = arith.constant 1 : i32
      %get3A_158 = arith.index_cast %get3A_157 : i32 to index
      %get3A_159 = arith.index_cast %mul3A_151 : i32 to index
      %get3A_160 = tpu.vector_load %arg7[%get3A_158, %get3A_159] {strides = array<i32>} : memref<2x1024xf32, #tpu.memory_space<vmem>>, vector<1x16xf32>,
      %get3A_161 = vector.shape_cast %get3A_160 : vector<1x16xf32> to vector<16xf32>
      %sub3A = arith.subf %get3A_161, %get3A_156 : vector<16xf32>
      %get3A_162 = arith.constant 0 : i32
      %get3A_163 = arith.index_cast %get3A_162 : i32 to index
      %get3A_164 = arith.index_cast %mul3A_151 : i32 to index
      %get3A_165 = tpu.vector_load %arg8[%get3A_163, %get3A_164] {strides = array<i32>} : memref<16x1024xf32, #tpu.memory_space<vmem>>, vector<1x16xf32>,
      %get3A_166 = vector.shape_cast %get3A_165 : vector<1x16xf32> to vector<16xf32>
      %add3A_167 = arith.addf %get3A_166, %get3A_156 : vector<16xf32>
      %mul3A_168 = arith.mulf %broadcast_in_dim3A, %sub3A : vector<16xf32>
      %add3A_169 = arith.addf %add3A_167, %mul3A_168 : vector<16xf32>
      %swap3A = arith.constant 0 : i32
      %swap3A_170 = arith.index_cast %swap3A : i32 to index
      %swap3A_171 = arith.index_cast %mul3A_151 : i32 to index
      %swap3A_172 = tpu.vector_load %arg8[%swap3A_170, %swap3A_171] {strides = array<i32>} : memref<16x1024xf32, #tpu.memory_space<vmem>>, vector<1x16xf32>,
      %swap3A_173 = vector.shape_cast %swap3A_172 : vector<1x16xf32> to vector<16xf32>
      %swap3A_174 = vector.shape_cast %add3A_169 : vector<16xf32> to vector<1x16xf32>
      tpu.vector_store %arg8[%swap3A_170, %swap3A_171], %swap3A_174 {strides = array<i32>} : memref<16x1024xf32, #tpu.memory_space<vmem>>, vector<1x16xf32>,
      %get3A_175 = arith.constant 1 : i32
      %get3A_176 = arith.index_cast %get3A_175 : i32 to index
      %get3A_177 = arith.index_cast %mul3A_151 : i32 to index
      %get3A_178 = tpu.vector_load %arg8[%get3A_176, %get3A_177] {strides = array<i32>} : memref<16x1024xf32, #tpu.memory_space<vmem>>, vector<1x16xf32>,
      %get3A_179 = vector.shape_cast %get3A_178 : vector<1x16xf32> to vector<16xf32>
      %add3A_180 = arith.addf %get3A_179, %get3A_156 : vector<16xf32>
      %mul3A_181 = arith.mulf %broadcast_in_dim3A_19, %sub3A : vector<16xf32>
      %add3A_182 = arith.addf %add3A_180, %mul3A_181 : vector<16xf32>
      %swap3A_183 = arith.constant 1 : i32
      %swap3A_184 = arith.index_cast %swap3A_183 : i32 to index
      %swap3A_185 = arith.index_cast %mul3A_151 : i32 to index
      %swap3A_186 = tpu.vector_load %arg8[%swap3A_184, %swap3A_185] {strides = array<i32>} : memref<16x1024xf32, #tpu.memory_space<vmem>>, vector<1x16xf32>,
      %swap3A_187 = vector.shape_cast %swap3A_186 : vector<1x16xf32> to vector<16xf32>
      %swap3A_188 = vector.shape_cast %add3A_182 : vector<16xf32> to vector<1x16xf32>
      tpu.vector_store %arg8[%swap3A_184, %swap3A_185], %swap3A_188 {strides = array<i32>} : memref<16x1024xf32, #tpu.memory_space<vmem>>, vector<1x16xf32>,
      %get3A_189 = arith.constant 2 : i32
      %get3A_190 = arith.index_cast %get3A_189 : i32 to index
      %get3A_191 = arith.index_cast %mul3A_151 : i32 to index
      %get3A_192 = tpu.vector_load %arg8[%get3A_190, %get3A_191] {strides = array<i32>} : memref<16x1024xf32, #tpu.memory_space<vmem>>, vector<1x16xf32>,
      %get3A_193 = vector.shape_cast %get3A_192 : vector<1x16xf32> to vector<16xf32>
      %add3A_194 = arith.addf %get3A_193, %get3A_156 : vector<16xf32>
      %mul3A_195 = arith.mulf %broadcast_in_dim3A_22, %sub3A : vector<16xf32>
      %add3A_196 = arith.addf %add3A_194, %mul3A_195 : vector<16xf32>
      %swap3A_197 = arith.constant 2 : i32
      %swap3A_198 = arith.index_cast %swap3A_197 : i32 to index
      %swap3A_199 = arith.index_cast %mul3A_151 : i32 to index
      %swap3A_200 = tpu.vector_load %arg8[%swap3A_198, %swap3A_199] {strides = array<i32>} : memref<16x1024xf32, #tpu.memory_space<vmem>>, vector<1x16xf32>,
      %swap3A_201 = vector.shape_cast %swap3A_200 : vector<1x16xf32> to vector<16xf32>
      %swap3A_202 = vector.shape_cast %add3A_196 : vector<16xf32> to vector<1x16xf32>
      tpu.vector_store %arg8[%swap3A_198, %swap3A_199], %swap3A_202 {strides = array<i32>} : memref<16x1024xf32, #tpu.memory_space<vmem>>, vector<1x16xf32>,
      %get3A_203 = arith.constant 3 : i32
      %get3A_204 = arith.index_cast %get3A_203 : i32 to index
      %get3A_205 = arith.index_cast %mul3A_151 : i32 to index
      %get3A_206 = tpu.vector_load %arg8[%get3A_204, %get3A_205] {strides = array<i32>} : memref<16x1024xf32, #tpu.memory_space<vmem>>, vector<1x16xf32>,
      %get3A_207 = vector.shape_cast %get3A_206 : vector<1x16xf32> to vector<16xf32>
      %add3A_208 = arith.addf %get3A_207, %get3A_156 : vector<16xf32>
      %mul3A_209 = arith.mulf %broadcast_in_dim3A_25, %sub3A : vector<16xf32>
      %add3A_210 = arith.addf %add3A_208, %mul3A_209 : vector<16xf32>
      %swap3A_211 = arith.constant 3 : i32
      %swap3A_212 = arith.index_cast %swap3A_211 : i32 to index
      %swap3A_213 = arith.index_cast %mul3A_151 : i32 to index
      %swap3A_214 = tpu.vector_load %arg8[%swap3A_212, %swap3A_213] {strides = array<i32>} : memref<16x1024xf32, #tpu.memory_space<vmem>>, vector<1x16xf32>,
      %swap3A_215 = vector.shape_cast %swap3A_214 : vector<1x16xf32> to vector<16xf32>
      %swap3A_216 = vector.shape_cast %add3A_210 : vector<16xf32> to vector<1x16xf32>
      tpu.vector_store %arg8[%swap3A_212, %swap3A_213], %swap3A_216 {strides = array<i32>} : memref<16x1024xf32, #tpu.memory_space<vmem>>, vector<1x16xf32>,
      %get3A_217 = arith.constant 4 : i32
      %get3A_218 = arith.index_cast %get3A_217 : i32 to index
      %get3A_219 = arith.index_cast %mul3A_151 : i32 to index
      %get3A_220 = tpu.vector_load %arg8[%get3A_218, %get3A_219] {strides = array<i32>} : memref<16x1024xf32, #tpu.memory_space<vmem>>, vector<1x16xf32>,
      %get3A_221 = vector.shape_cast %get3A_220 : vector<1x16xf32> to vector<16xf32>
      %add3A_222 = arith.addf %get3A_221, %get3A_156 : vector<16xf32>
      %mul3A_223 = arith.mulf %broadcast_in_dim3A_28, %sub3A : vector<16xf32>
      %add3A_224 = arith.addf %add3A_222, %mul3A_223 : vector<16xf32>
      %swap3A_225 = arith.constant 4 : i32
      %swap3A_226 = arith.index_cast %swap3A_225 : i32 to index
      %swap3A_227 = arith.index_cast %mul3A_151 : i32 to index
      %swap3A_228 = tpu.vector_load %arg8[%swap3A_226, %swap3A_227] {strides = array<i32>} : memref<16x1024xf32, #tpu.memory_space<vmem>>, vector<1x16xf32>,
      %swap3A_229 = vector.shape_cast %swap3A_228 : vector<1x16xf32> to vector<16xf32>
      %swap3A_230 = vector.shape_cast %add3A_224 : vector<16xf32> to vector<1x16xf32>
      tpu.vector_store %arg8[%swap3A_226, %swap3A_227], %swap3A_230 {strides = array<i32>} : memref<16x1024xf32, #tpu.memory_space<vmem>>, vector<1x16xf32>,
      %get3A_231 = arith.constant 5 : i32
      %get3A_232 = arith.index_cast %get3A_231 : i32 to index
      %get3A_233 = arith.index_cast %mul3A_151 : i32 to index
      %get3A_234 = tpu.vector_load %arg8[%get3A_232, %get3A_233] {strides = array<i32>} : memref<16x1024xf32, #tpu.memory_space<vmem>>, vector<1x16xf32>,
      %get3A_235 = vector.shape_cast %get3A_234 : vector<1x16xf32> to vector<16xf32>
      %add3A_236 = arith.addf %get3A_235, %get3A_156 : vector<16xf32>
      %mul3A_237 = arith.mulf %broadcast_in_dim3A_31, %sub3A : vector<16xf32>
      %add3A_238 = arith.addf %add3A_236, %mul3A_237 : vector<16xf32>
      %swap3A_239 = arith.constant 5 : i32
      %swap3A_240 = arith.index_cast %swap3A_239 : i32 to index
      %swap3A_241 = arith.index_cast %mul3A_151 : i32 to index
      %swap3A_242 = tpu.vector_load %arg8[%swap3A_240, %swap3A_241] {strides = array<i32>} : memref<16x1024xf32, #tpu.memory_space<vmem>>, vector<1x16xf32>,
      %swap3A_243 = vector.shape_cast %swap3A_242 : vector<1x16xf32> to vector<16xf32>
      %swap3A_244 = vector.shape_cast %add3A_238 : vector<16xf32> to vector<1x16xf32>
      tpu.vector_store %arg8[%swap3A_240, %swap3A_241], %swap3A_244 {strides = array<i32>} : memref<16x1024xf32, #tpu.memory_space<vmem>>, vector<1x16xf32>,
      %get3A_245 = arith.constant 6 : i32
      %get3A_246 = arith.index_cast %get3A_245 : i32 to index
      %get3A_247 = arith.index_cast %mul3A_151 : i32 to index
      %get3A_248 = tpu.vector_load %arg8[%get3A_246, %get3A_247] {strides = array<i32>} : memref<16x1024xf32, #tpu.memory_space<vmem>>, vector<1x16xf32>,
      %get3A_249 = vector.shape_cast %get3A_248 : vector<1x16xf32> to vector<16xf32>
      %add3A_250 = arith.addf %get3A_249, %get3A_156 : vector<16xf32>
      %mul3A_251 = arith.mulf %broadcast_in_dim3A_34, %sub3A : vector<16xf32>
      %add3A_252 = arith.addf %add3A_250, %mul3A_251 : vector<16xf32>
      %swap3A_253 = arith.constant 6 : i32
      %swap3A_254 = arith.index_cast %swap3A_253 : i32 to index
      %swap3A_255 = arith.index_cast %mul3A_151 : i32 to index
      %swap3A_256 = tpu.vector_load %arg8[%swap3A_254, %swap3A_255] {strides = array<i32>} : memref<16x1024xf32, #tpu.memory_space<vmem>>, vector<1x16xf32>,
      %swap3A_257 = vector.shape_cast %swap3A_256 : vector<1x16xf32> to vector<16xf32>
      %swap3A_258 = vector.shape_cast %add3A_252 : vector<16xf32> to vector<1x16xf32>
      tpu.vector_store %arg8[%swap3A_254, %swap3A_255], %swap3A_258 {strides = array<i32>} : memref<16x1024xf32, #tpu.memory_space<vmem>>, vector<1x16xf32>,
      %get3A_259 = arith.constant 7 : i32
      %get3A_260 = arith.index_cast %get3A_259 : i32 to index
      %get3A_261 = arith.index_cast %mul3A_151 : i32 to index
      %get3A_262 = tpu.vector_load %arg8[%get3A_260, %get3A_261] {strides = array<i32>} : memref<16x1024xf32, #tpu.memory_space<vmem>>, vector<1x16xf32>,
      %get3A_263 = vector.shape_cast %get3A_262 : vector<1x16xf32> to vector<16xf32>
      %add3A_264 = arith.addf %get3A_263, %get3A_156 : vector<16xf32>
      %mul3A_265 = arith.mulf %broadcast_in_dim3A_37, %sub3A : vector<16xf32>
      %add3A_266 = arith.addf %add3A_264, %mul3A_265 : vector<16xf32>
      %swap3A_267 = arith.constant 7 : i32
      %swap3A_268 = arith.index_cast %swap3A_267 : i32 to index
      %swap3A_269 = arith.index_cast %mul3A_151 : i32 to index
      %swap3A_270 = tpu.vector_load %arg8[%swap3A_268, %swap3A_269] {strides = array<i32>} : memref<16x1024xf32, #tpu.memory_space<vmem>>, vector<1x16xf32>,
      %swap3A_271 = vector.shape_cast %swap3A_270 : vector<1x16xf32> to vector<16xf32>
      %swap3A_272 = vector.shape_cast %add3A_266 : vector<16xf32> to vector<1x16xf32>
      tpu.vector_store %arg8[%swap3A_268, %swap3A_269], %swap3A_272 {strides = array<i32>} : memref<16x1024xf32, #tpu.memory_space<vmem>>, vector<1x16xf32>,
      %get3A_273 = arith.constant 8 : i32
      %get3A_274 = arith.index_cast %get3A_273 : i32 to index
      %get3A_275 = arith.index_cast %mul3A_151 : i32 to index
      %get3A_276 = tpu.vector_load %arg8[%get3A_274, %get3A_275] {strides = array<i32>} : memref<16x1024xf32, #tpu.memory_space<vmem>>, vector<1x16xf32>,
      %get3A_277 = vector.shape_cast %get3A_276 : vector<1x16xf32> to vector<16xf32>
      %add3A_278 = arith.addf %get3A_277, %get3A_156 : vector<16xf32>
      %mul3A_279 = arith.mulf %broadcast_in_dim3A_40, %sub3A : vector<16xf32>
      %add3A_280 = arith.addf %add3A_278, %mul3A_279 : vector<16xf32>
      %swap3A_281 = arith.constant 8 : i32
      %swap3A_282 = arith.index_cast %swap3A_281 : i32 to index
      %swap3A_283 = arith.index_cast %mul3A_151 : i32 to index
      %swap3A_284 = tpu.vector_load %arg8[%swap3A_282, %swap3A_283] {strides = array<i32>} : memref<16x1024xf32, #tpu.memory_space<vmem>>, vector<1x16xf32>,
      %swap3A_285 = vector.shape_cast %swap3A_284 : vector<1x16xf32> to vector<16xf32>
      %swap3A_286 = vector.shape_cast %add3A_280 : vector<16xf32> to vector<1x16xf32>
      tpu.vector_store %arg8[%swap3A_282, %swap3A_283], %swap3A_286 {strides = array<i32>} : memref<16x1024xf32, #tpu.memory_space<vmem>>, vector<1x16xf32>,
      %get3A_287 = arith.constant 9 : i32
      %get3A_288 = arith.index_cast %get3A_287 : i32 to index
      %get3A_289 = arith.index_cast %mul3A_151 : i32 to index
      %get3A_290 = tpu.vector_load %arg8[%get3A_288, %get3A_289] {strides = array<i32>} : memref<16x1024xf32, #tpu.memory_space<vmem>>, vector<1x16xf32>,
      %get3A_291 = vector.shape_cast %get3A_290 : vector<1x16xf32> to vector<16xf32>
      %add3A_292 = arith.addf %get3A_291, %get3A_156 : vector<16xf32>
      %mul3A_293 = arith.mulf %broadcast_in_dim3A_43, %sub3A : vector<16xf32>
      %add3A_294 = arith.addf %add3A_292, %mul3A_293 : vector<16xf32>
      %swap3A_295 = arith.constant 9 : i32
      %swap3A_296 = arith.index_cast %swap3A_295 : i32 to index
      %swap3A_297 = arith.index_cast %mul3A_151 : i32 to index
      %swap3A_298 = tpu.vector_load %arg8[%swap3A_296, %swap3A_297] {strides = array<i32>} : memref<16x1024xf32, #tpu.memory_space<vmem>>, vector<1x16xf32>,
      %swap3A_299 = vector.shape_cast %swap3A_298 : vector<1x16xf32> to vector<16xf32>
      %swap3A_300 = vector.shape_cast %add3A_294 : vector<16xf32> to vector<1x16xf32>
      tpu.vector_store %arg8[%swap3A_296, %swap3A_297], %swap3A_300 {strides = array<i32>} : memref<16x1024xf32, #tpu.memory_space<vmem>>, vector<1x16xf32>,
      %get3A_301 = arith.constant 10 : i32
      %get3A_302 = arith.index_cast %get3A_301 : i32 to index
      %get3A_303 = arith.index_cast %mul3A_151 : i32 to index
      %get3A_304 = tpu.vector_load %arg8[%get3A_302, %get3A_303] {strides = array<i32>} : memref<16x1024xf32, #tpu.memory_space<vmem>>, vector<1x16xf32>,
      %get3A_305 = vector.shape_cast %get3A_304 : vector<1x16xf32> to vector<16xf32>
      %add3A_306 = arith.addf %get3A_305, %get3A_156 : vector<16xf32>
      %mul3A_307 = arith.mulf %broadcast_in_dim3A_46, %sub3A : vector<16xf32>
      %add3A_308 = arith.addf %add3A_306, %mul3A_307 : vector<16xf32>
      %swap3A_309 = arith.constant 10 : i32
      %swap3A_310 = arith.index_cast %swap3A_309 : i32 to index
      %swap3A_311 = arith.index_cast %mul3A_151 : i32 to index
      %swap3A_312 = tpu.vector_load %arg8[%swap3A_310, %swap3A_311] {strides = array<i32>} : memref<16x1024xf32, #tpu.memory_space<vmem>>, vector<1x16xf32>,
      %swap3A_313 = vector.shape_cast %swap3A_312 : vector<1x16xf32> to vector<16xf32>
      %swap3A_314 = vector.shape_cast %add3A_308 : vector<16xf32> to vector<1x16xf32>
      tpu.vector_store %arg8[%swap3A_310, %swap3A_311], %swap3A_314 {strides = array<i32>} : memref<16x1024xf32, #tpu.memory_space<vmem>>, vector<1x16xf32>,
      %get3A_315 = arith.constant 11 : i32
      %get3A_316 = arith.index_cast %get3A_315 : i32 to index
      %get3A_317 = arith.index_cast %mul3A_151 : i32 to index
      %get3A_318 = tpu.vector_load %arg8[%get3A_316, %get3A_317] {strides = array<i32>} : memref<16x1024xf32, #tpu.memory_space<vmem>>, vector<1x16xf32>,
      %get3A_319 = vector.shape_cast %get3A_318 : vector<1x16xf32> to vector<16xf32>
      %add3A_320 = arith.addf %get3A_319, %get3A_156 : vector<16xf32>
      %mul3A_321 = arith.mulf %broadcast_in_dim3A_49, %sub3A : vector<16xf32>
      %add3A_322 = arith.addf %add3A_320, %mul3A_321 : vector<16xf32>
      %swap3A_323 = arith.constant 11 : i32
      %swap3A_324 = arith.index_cast %swap3A_323 : i32 to index
      %swap3A_325 = arith.index_cast %mul3A_151 : i32 to index
      %swap3A_326 = tpu.vector_load %arg8[%swap3A_324, %swap3A_325] {strides = array<i32>} : memref<16x1024xf32, #tpu.memory_space<vmem>>, vector<1x16xf32>,
      %swap3A_327 = vector.shape_cast %swap3A_326 : vector<1x16xf32> to vector<16xf32>
      %swap3A_328 = vector.shape_cast %add3A_322 : vector<16xf32> to vector<1x16xf32>
      tpu.vector_store %arg8[%swap3A_324, %swap3A_325], %swap3A_328 {strides = array<i32>} : memref<16x1024xf32, #tpu.memory_space<vmem>>, vector<1x16xf32>,
      %get3A_329 = arith.constant 12 : i32
      %get3A_330 = arith.index_cast %get3A_329 : i32 to index
      %get3A_331 = arith.index_cast %mul3A_151 : i32 to index
      %get3A_332 = tpu.vector_load %arg8[%get3A_330, %get3A_331] {strides = array<i32>} : memref<16x1024xf32, #tpu.memory_space<vmem>>, vector<1x16xf32>,
      %get3A_333 = vector.shape_cast %get3A_332 : vector<1x16xf32> to vector<16xf32>
      %add3A_334 = arith.addf %get3A_333, %get3A_156 : vector<16xf32>
      %mul3A_335 = arith.mulf %broadcast_in_dim3A_52, %sub3A : vector<16xf32>
      %add3A_336 = arith.addf %add3A_334, %mul3A_335 : vector<16xf32>
      %swap3A_337 = arith.constant 12 : i32
      %swap3A_338 = arith.index_cast %swap3A_337 : i32 to index
      %swap3A_339 = arith.index_cast %mul3A_151 : i32 to index
      %swap3A_340 = tpu.vector_load %arg8[%swap3A_338, %swap3A_339] {strides = array<i32>} : memref<16x1024xf32, #tpu.memory_space<vmem>>, vector<1x16xf32>,
      %swap3A_341 = vector.shape_cast %swap3A_340 : vector<1x16xf32> to vector<16xf32>
      %swap3A_342 = vector.shape_cast %add3A_336 : vector<16xf32> to vector<1x16xf32>
      tpu.vector_store %arg8[%swap3A_338, %swap3A_339], %swap3A_342 {strides = array<i32>} : memref<16x1024xf32, #tpu.memory_space<vmem>>, vector<1x16xf32>,
      %get3A_343 = arith.constant 13 : i32
      %get3A_344 = arith.index_cast %get3A_343 : i32 to index
      %get3A_345 = arith.index_cast %mul3A_151 : i32 to index
      %get3A_346 = tpu.vector_load %arg8[%get3A_344, %get3A_345] {strides = array<i32>} : memref<16x1024xf32, #tpu.memory_space<vmem>>, vector<1x16xf32>,
      %get3A_347 = vector.shape_cast %get3A_346 : vector<1x16xf32> to vector<16xf32>
      %add3A_348 = arith.addf %get3A_347, %get3A_156 : vector<16xf32>
      %mul3A_349 = arith.mulf %broadcast_in_dim3A_55, %sub3A : vector<16xf32>
      %add3A_350 = arith.addf %add3A_348, %mul3A_349 : vector<16xf32>
      %swap3A_351 = arith.constant 13 : i32
      %swap3A_352 = arith.index_cast %swap3A_351 : i32 to index
      %swap3A_353 = arith.index_cast %mul3A_151 : i32 to index
      %swap3A_354 = tpu.vector_load %arg8[%swap3A_352, %swap3A_353] {strides = array<i32>} : memref<16x1024xf32, #tpu.memory_space<vmem>>, vector<1x16xf32>,
      %swap3A_355 = vector.shape_cast %swap3A_354 : vector<1x16xf32> to vector<16xf32>
      %swap3A_356 = vector.shape_cast %add3A_350 : vector<16xf32> to vector<1x16xf32>
      tpu.vector_store %arg8[%swap3A_352, %swap3A_353], %swap3A_356 {strides = array<i32>} : memref<16x1024xf32, #tpu.memory_space<vmem>>, vector<1x16xf32>,
      %get3A_357 = arith.constant 14 : i32
      %get3A_358 = arith.index_cast %get3A_357 : i32 to index
      %get3A_359 = arith.index_cast %mul3A_151 : i32 to index
      %get3A_360 = tpu.vector_load %arg8[%get3A_358, %get3A_359] {strides = array<i32>} : memref<16x1024xf32, #tpu.memory_space<vmem>>, vector<1x16xf32>,
      %get3A_361 = vector.shape_cast %get3A_360 : vector<1x16xf32> to vector<16xf32>
      %add3A_362 = arith.addf %get3A_361, %get3A_156 : vector<16xf32>
      %mul3A_363 = arith.mulf %broadcast_in_dim3A_58, %sub3A : vector<16xf32>
      %add3A_364 = arith.addf %add3A_362, %mul3A_363 : vector<16xf32>
      %swap3A_365 = arith.constant 14 : i32
      %swap3A_366 = arith.index_cast %swap3A_365 : i32 to index
      %swap3A_367 = arith.index_cast %mul3A_151 : i32 to index
      %swap3A_368 = tpu.vector_load %arg8[%swap3A_366, %swap3A_367] {strides = array<i32>} : memref<16x1024xf32, #tpu.memory_space<vmem>>, vector<1x16xf32>,
      %swap3A_369 = vector.shape_cast %swap3A_368 : vector<1x16xf32> to vector<16xf32>
      %swap3A_370 = vector.shape_cast %add3A_364 : vector<16xf32> to vector<1x16xf32>
      tpu.vector_store %arg8[%swap3A_366, %swap3A_367], %swap3A_370 {strides = array<i32>} : memref<16x1024xf32, #tpu.memory_space<vmem>>, vector<1x16xf32>,
      %get3A_371 = arith.constant 15 : i32
      %get3A_372 = arith.index_cast %get3A_371 : i32 to index
      %get3A_373 = arith.index_cast %mul3A_151 : i32 to index
      %get3A_374 = tpu.vector_load %arg8[%get3A_372, %get3A_373] {strides = array<i32>} : memref<16x1024xf32, #tpu.memory_space<vmem>>, vector<1x16xf32>,
      %get3A_375 = vector.shape_cast %get3A_374 : vector<1x16xf32> to vector<16xf32>
      %add3A_376 = arith.addf %get3A_375, %get3A_156 : vector<16xf32>
      %mul3A_377 = arith.mulf %broadcast_in_dim3A_61, %sub3A : vector<16xf32>
      %add3A_378 = arith.addf %add3A_376, %mul3A_377 : vector<16xf32>
      %swap3A_379 = arith.constant 15 : i32
      %swap3A_380 = arith.index_cast %swap3A_379 : i32 to index
      %swap3A_381 = arith.index_cast %mul3A_151 : i32 to index
      %swap3A_382 = tpu.vector_load %arg8[%swap3A_380, %swap3A_381] {strides = array<i32>} : memref<16x1024xf32, #tpu.memory_space<vmem>>, vector<1x16xf32>,
      %swap3A_383 = vector.shape_cast %swap3A_382 : vector<1x16xf32> to vector<16xf32>
      %swap3A_384 = vector.shape_cast %add3A_378 : vector<16xf32> to vector<1x16xf32>
      tpu.vector_store %arg8[%swap3A_380, %swap3A_381], %swap3A_384 {strides = array<i32>} : memref<16x1024xf32, #tpu.memory_space<vmem>>, vector<1x16xf32>,
    }
    %scan3A_66 = arith.constant 64 : i32
    %add3A_67 = arith.constant 0 : i32
    %add3A_68 = arith.addi %mul3A_2, %add3A_67 : i32
    %dma_start3A_69 = arith.constant 0 : i32
    %dma_start3A_70 = tpu.memref_slice %arg5[%add3A_68, %dma_start3A_69] : memref<1024x1024xf32, #tpu.memory_space<hbm>> -> memref<16x1024xf32, #tpu.memory_space<hbm>>
    %dma_start3A_71 = arith.constant 0 : i32
    %dma_start3A_72 = tpu.memref_slice %arg5[%add3A_68, %dma_start3A_71] : memref<1024x1024xf32, #tpu.memory_space<hbm>> -> memref<16x1024xf32, #tpu.memory_space<hbm>>
    tpu.enqueue_dma source(%arg8 : memref<16x1024xf32, #tpu.memory_space<vmem>>) target(%dma_start3A_72 : memref<16x1024xf32, #tpu.memory_space<hbm>>) target_semaphore(%arg12 : memref<!tpu.dma_semaphore, #tpu.memory_space<semaphore_mem>>)
    %dma_wait3A_73 = arith.constant 0 : i32
    %dma_wait3A_74 = tpu.memref_slice %arg4[%add3A_7, %dma_wait3A_73] : memref<1024x1024xf32, #tpu.memory_space<hbm>> -> memref<16x1024xf32, #tpu.memory_space<hbm>>
    %dma_wait3A_75 = arith.constant 0 : i32
    %dma_wait3A_76 = tpu.memref_slice %arg4[%add3A_7, %dma_wait3A_75] : memref<1024x1024xf32, #tpu.memory_space<hbm>> -> memref<16x1024xf32, #tpu.memory_space<hbm>>
    tpu.wait_dma2 semaphore(%arg11 : memref<!tpu.dma_semaphore, #tpu.memory_space<semaphore_mem>>) src(%dma_wait3A_76 : memref<16x1024xf32, #tpu.memory_space<hbm>>) dst(%arg9 : memref<16x1024xf32, #tpu.memory_space<vmem>>)
    %get3A_77 = arith.constant 16 : index
    %get3A_78 = tpu.vector_load %arg6[%get3A_77] {strides = array<i32>} : memref<32xi32, #tpu.memory_space<vmem>>, vector<16xi32>,
    %get3A_79 = vector.shape_cast %get3A_78 : vector<16xi32> to vector<16xi32>
    %convert_element_type3A_80 = arith.sitofp %get3A_79 : vector<16xi32> to vector<16xf32>
    %slice3A_81 = vector.extract_strided_slice %convert_element_type3A_80 {offsets = [0], sizes = [1], strides = [1]} : vector<16xf32> to vector<1xf32>
    %squeeze3A_82 = vector.extract %slice3A_81[0] : f32 from vector<1xf32>
    %broadcast_in_dim3A_83 = vector.broadcast %squeeze3A_82 : f32 to vector<16xf32>
    %slice3A_84 = vector.extract_strided_slice %convert_element_type3A_80 {offsets = [1], sizes = [1], strides = [1]} : vector<16xf32> to vector<1xf32>
    %squeeze3A_85 = vector.extract %slice3A_84[0] : f32 from vector<1xf32>
    %broadcast_in_dim3A_86 = vector.broadcast %squeeze3A_85 : f32 to vector<16xf32>
    %slice3A_87 = vector.extract_strided_slice %convert_element_type3A_80 {offsets = [2], sizes = [1], strides = [1]} : vector<16xf32> to vector<1xf32>
    %squeeze3A_88 = vector.extract %slice3A_87[0] : f32 from vector<1xf32>
    %broadcast_in_dim3A_89 = vector.broadcast %squeeze3A_88 : f32 to vector<16xf32>
    %slice3A_90 = vector.extract_strided_slice %convert_element_type3A_80 {offsets = [3], sizes = [1], strides = [1]} : vector<16xf32> to vector<1xf32>
    %squeeze3A_91 = vector.extract %slice3A_90[0] : f32 from vector<1xf32>
    %broadcast_in_dim3A_92 = vector.broadcast %squeeze3A_91 : f32 to vector<16xf32>
    %slice3A_93 = vector.extract_strided_slice %convert_element_type3A_80 {offsets = [4], sizes = [1], strides = [1]} : vector<16xf32> to vector<1xf32>
    %squeeze3A_94 = vector.extract %slice3A_93[0] : f32 from vector<1xf32>
    %broadcast_in_dim3A_95 = vector.broadcast %squeeze3A_94 : f32 to vector<16xf32>
    %slice3A_96 = vector.extract_strided_slice %convert_element_type3A_80 {offsets = [5], sizes = [1], strides = [1]} : vector<16xf32> to vector<1xf32>
    %squeeze3A_97 = vector.extract %slice3A_96[0] : f32 from vector<1xf32>
    %broadcast_in_dim3A_98 = vector.broadcast %squeeze3A_97 : f32 to vector<16xf32>
    %slice3A_99 = vector.extract_strided_slice %convert_element_type3A_80 {offsets = [6], sizes = [1], strides = [1]} : vector<16xf32> to vector<1xf32>
    %squeeze3A_100 = vector.extract %slice3A_99[0] : f32 from vector<1xf32>
    %broadcast_in_dim3A_101 = vector.broadcast %squeeze3A_100 : f32 to vector<16xf32>
    %slice3A_102 = vector.extract_strided_slice %convert_element_type3A_80 {offsets = [7], sizes = [1], strides = [1]} : vector<16xf32> to vector<1xf32>
    %squeeze3A_103 = vector.extract %slice3A_102[0] : f32 from vector<1xf32>
    %broadcast_in_dim3A_104 = vector.broadcast %squeeze3A_103 : f32 to vector<16xf32>
    %slice3A_105 = vector.extract_strided_slice %convert_element_type3A_80 {offsets = [8], sizes = [1], strides = [1]} : vector<16xf32> to vector<1xf32>
    %squeeze3A_106 = vector.extract %slice3A_105[0] : f32 from vector<1xf32>
    %broadcast_in_dim3A_107 = vector.broadcast %squeeze3A_106 : f32 to vector<16xf32>
    %slice3A_108 = vector.extract_strided_slice %convert_element_type3A_80 {offsets = [9], sizes = [1], strides = [1]} : vector<16xf32> to vector<1xf32>
    %squeeze3A_109 = vector.extract %slice3A_108[0] : f32 from vector<1xf32>
    %broadcast_in_dim3A_110 = vector.broadcast %squeeze3A_109 : f32 to vector<16xf32>
    %slice3A_111 = vector.extract_strided_slice %convert_element_type3A_80 {offsets = [10], sizes = [1], strides = [1]} : vector<16xf32> to vector<1xf32>
    %squeeze3A_112 = vector.extract %slice3A_111[0] : f32 from vector<1xf32>
    %broadcast_in_dim3A_113 = vector.broadcast %squeeze3A_112 : f32 to vector<16xf32>
    %slice3A_114 = vector.extract_strided_slice %convert_element_type3A_80 {offsets = [11], sizes = [1], strides = [1]} : vector<16xf32> to vector<1xf32>
    %squeeze3A_115 = vector.extract %slice3A_114[0] : f32 from vector<1xf32>
    %broadcast_in_dim3A_116 = vector.broadcast %squeeze3A_115 : f32 to vector<16xf32>
    %slice3A_117 = vector.extract_strided_slice %convert_element_type3A_80 {offsets = [12], sizes = [1], strides = [1]} : vector<16xf32> to vector<1xf32>
    %squeeze3A_118 = vector.extract %slice3A_117[0] : f32 from vector<1xf32>
    %broadcast_in_dim3A_119 = vector.broadcast %squeeze3A_118 : f32 to vector<16xf32>
    %slice3A_120 = vector.extract_strided_slice %convert_element_type3A_80 {offsets = [13], sizes = [1], strides = [1]} : vector<16xf32> to vector<1xf32>
    %squeeze3A_121 = vector.extract %slice3A_120[0] : f32 from vector<1xf32>
    %broadcast_in_dim3A_122 = vector.broadcast %squeeze3A_121 : f32 to vector<16xf32>
    %slice3A_123 = vector.extract_strided_slice %convert_element_type3A_80 {offsets = [14], sizes = [1], strides = [1]} : vector<16xf32> to vector<1xf32>
    %squeeze3A_124 = vector.extract %slice3A_123[0] : f32 from vector<1xf32>
    %broadcast_in_dim3A_125 = vector.broadcast %squeeze3A_124 : f32 to vector<16xf32>
    %slice3A_126 = vector.extract_strided_slice %convert_element_type3A_80 {offsets = [15], sizes = [1], strides = [1]} : vector<16xf32> to vector<1xf32>
    %squeeze3A_127 = vector.extract %slice3A_126[0] : f32 from vector<1xf32>
    %broadcast_in_dim3A_128 = vector.broadcast %squeeze3A_127 : f32 to vector<16xf32>
    %scan3A_129 = arith.constant 0 : i32
    %scan3A_130 = arith.constant 0 : i32
    %scan3A_131 = arith.constant 64 : i32
    %scan3A_132 = arith.addi %scan3A_130, %scan3A_131 : i32
    %scan3A_133 = arith.constant 1 : i32
    scf.for %scan3A_149 = %scan3A_130 to %scan3A_132 step %scan3A_133  : i32 {
      %mul3A_150 = arith.constant 16 : i32
      %mul3A_151 = arith.muli %scan3A_149, %mul3A_150 : i32
      %get3A_152 = arith.constant 0 : i32
      %get3A_153 = arith.index_cast %get3A_152 : i32 to index
      %get3A_154 = arith.index_cast %mul3A_151 : i32 to index
      %get3A_155 = tpu.vector_load %arg7[%get3A_153, %get3A_154] {strides = array<i32>} : memref<2x1024xf32, #tpu.memory_space<vmem>>, vector<1x16xf32>,
      %get3A_156 = vector.shape_cast %get3A_155 : vector<1x16xf32> to vector<16xf32>
      %get3A_157 = arith.constant 1 : i32
      %get3A_158 = arith.index_cast %get3A_157 : i32 to index
      %get3A_159 = arith.index_cast %mul3A_151 : i32 to index
      %get3A_160 = tpu.vector_load %arg7[%get3A_158, %get3A_159] {strides = array<i32>} : memref<2x1024xf32, #tpu.memory_space<vmem>>, vector<1x16xf32>,
      %get3A_161 = vector.shape_cast %get3A_160 : vector<1x16xf32> to vector<16xf32>
      %sub3A = arith.subf %get3A_161, %get3A_156 : vector<16xf32>
      %get3A_162 = arith.constant 0 : i32
      %get3A_163 = arith.index_cast %get3A_162 : i32 to index
      %get3A_164 = arith.index_cast %mul3A_151 : i32 to index
      %get3A_165 = tpu.vector_load %arg9[%get3A_163, %get3A_164] {strides = array<i32>} : memref<16x1024xf32, #tpu.memory_space<vmem>>, vector<1x16xf32>,
      %get3A_166 = vector.shape_cast %get3A_165 : vector<1x16xf32> to vector<16xf32>
      %add3A_167 = arith.addf %get3A_166, %get3A_156 : vector<16xf32>
      %mul3A_168 = arith.mulf %broadcast_in_dim3A_83, %sub3A : vector<16xf32>
      %add3A_169 = arith.addf %add3A_167, %mul3A_168 : vector<16xf32>
      %swap3A = arith.constant 0 : i32
      %swap3A_170 = arith.index_cast %swap3A : i32 to index
      %swap3A_171 = arith.index_cast %mul3A_151 : i32 to index
      %swap3A_172 = tpu.vector_load %arg9[%swap3A_170, %swap3A_171] {strides = array<i32>} : memref<16x1024xf32, #tpu.memory_space<vmem>>, vector<1x16xf32>,
      %swap3A_173 = vector.shape_cast %swap3A_172 : vector<1x16xf32> to vector<16xf32>
      %swap3A_174 = vector.shape_cast %add3A_169 : vector<16xf32> to vector<1x16xf32>
      tpu.vector_store %arg9[%swap3A_170, %swap3A_171], %swap3A_174 {strides = array<i32>} : memref<16x1024xf32, #tpu.memory_space<vmem>>, vector<1x16xf32>,
      %get3A_175 = arith.constant 1 : i32
      %get3A_176 = arith.index_cast %get3A_175 : i32 to index
      %get3A_177 = arith.index_cast %mul3A_151 : i32 to index
      %get3A_178 = tpu.vector_load %arg9[%get3A_176, %get3A_177] {strides = array<i32>} : memref<16x1024xf32, #tpu.memory_space<vmem>>, vector<1x16xf32>,
      %get3A_179 = vector.shape_cast %get3A_178 : vector<1x16xf32> to vector<16xf32>
      %add3A_180 = arith.addf %get3A_179, %get3A_156 : vector<16xf32>
      %mul3A_181 = arith.mulf %broadcast_in_dim3A_86, %sub3A : vector<16xf32>
      %add3A_182 = arith.addf %add3A_180, %mul3A_181 : vector<16xf32>
      %swap3A_183 = arith.constant 1 : i32
      %swap3A_184 = arith.index_cast %swap3A_183 : i32 to index
      %swap3A_185 = arith.index_cast %mul3A_151 : i32 to index
      %swap3A_186 = tpu.vector_load %arg9[%swap3A_184, %swap3A_185] {strides = array<i32>} : memref<16x1024xf32, #tpu.memory_space<vmem>>, vector<1x16xf32>,
      %swap3A_187 = vector.shape_cast %swap3A_186 : vector<1x16xf32> to vector<16xf32>
      %swap3A_188 = vector.shape_cast %add3A_182 : vector<16xf32> to vector<1x16xf32>
      tpu.vector_store %arg9[%swap3A_184, %swap3A_185], %swap3A_188 {strides = array<i32>} : memref<16x1024xf32, #tpu.memory_space<vmem>>, vector<1x16xf32>,
      %get3A_189 = arith.constant 2 : i32
      %get3A_190 = arith.index_cast %get3A_189 : i32 to index
      %get3A_191 = arith.index_cast %mul3A_151 : i32 to index
      %get3A_192 = tpu.vector_load %arg9[%get3A_190, %get3A_191] {strides = array<i32>} : memref<16x1024xf32, #tpu.memory_space<vmem>>, vector<1x16xf32>,
      %get3A_193 = vector.shape_cast %get3A_192 : vector<1x16xf32> to vector<16xf32>
      %add3A_194 = arith.addf %get3A_193, %get3A_156 : vector<16xf32>
      %mul3A_195 = arith.mulf %broadcast_in_dim3A_89, %sub3A : vector<16xf32>
      %add3A_196 = arith.addf %add3A_194, %mul3A_195 : vector<16xf32>
      %swap3A_197 = arith.constant 2 : i32
      %swap3A_198 = arith.index_cast %swap3A_197 : i32 to index
      %swap3A_199 = arith.index_cast %mul3A_151 : i32 to index
      %swap3A_200 = tpu.vector_load %arg9[%swap3A_198, %swap3A_199] {strides = array<i32>} : memref<16x1024xf32, #tpu.memory_space<vmem>>, vector<1x16xf32>,
      %swap3A_201 = vector.shape_cast %swap3A_200 : vector<1x16xf32> to vector<16xf32>
      %swap3A_202 = vector.shape_cast %add3A_196 : vector<16xf32> to vector<1x16xf32>
      tpu.vector_store %arg9[%swap3A_198, %swap3A_199], %swap3A_202 {strides = array<i32>} : memref<16x1024xf32, #tpu.memory_space<vmem>>, vector<1x16xf32>,
      %get3A_203 = arith.constant 3 : i32
      %get3A_204 = arith.index_cast %get3A_203 : i32 to index
      %get3A_205 = arith.index_cast %mul3A_151 : i32 to index
      %get3A_206 = tpu.vector_load %arg9[%get3A_204, %get3A_205] {strides = array<i32>} : memref<16x1024xf32, #tpu.memory_space<vmem>>, vector<1x16xf32>,
      %get3A_207 = vector.shape_cast %get3A_206 : vector<1x16xf32> to vector<16xf32>
      %add3A_208 = arith.addf %get3A_207, %get3A_156 : vector<16xf32>
      %mul3A_209 = arith.mulf %broadcast_in_dim3A_92, %sub3A : vector<16xf32>
      %add3A_210 = arith.addf %add3A_208, %mul3A_209 : vector<16xf32>
      %swap3A_211 = arith.constant 3 : i32
      %swap3A_212 = arith.index_cast %swap3A_211 : i32 to index
      %swap3A_213 = arith.index_cast %mul3A_151 : i32 to index
      %swap3A_214 = tpu.vector_load %arg9[%swap3A_212, %swap3A_213] {strides = array<i32>} : memref<16x1024xf32, #tpu.memory_space<vmem>>, vector<1x16xf32>,
      %swap3A_215 = vector.shape_cast %swap3A_214 : vector<1x16xf32> to vector<16xf32>
      %swap3A_216 = vector.shape_cast %add3A_210 : vector<16xf32> to vector<1x16xf32>
      tpu.vector_store %arg9[%swap3A_212, %swap3A_213], %swap3A_216 {strides = array<i32>} : memref<16x1024xf32, #tpu.memory_space<vmem>>, vector<1x16xf32>,
      %get3A_217 = arith.constant 4 : i32
      %get3A_218 = arith.index_cast %get3A_217 : i32 to index
      %get3A_219 = arith.index_cast %mul3A_151 : i32 to index
      %get3A_220 = tpu.vector_load %arg9[%get3A_218, %get3A_219] {strides = array<i32>} : memref<16x1024xf32, #tpu.memory_space<vmem>>, vector<1x16xf32>,
      %get3A_221 = vector.shape_cast %get3A_220 : vector<1x16xf32> to vector<16xf32>
      %add3A_222 = arith.addf %get3A_221, %get3A_156 : vector<16xf32>
      %mul3A_223 = arith.mulf %broadcast_in_dim3A_95, %sub3A : vector<16xf32>
      %add3A_224 = arith.addf %add3A_222, %mul3A_223 : vector<16xf32>
      %swap3A_225 = arith.constant 4 : i32
      %swap3A_226 = arith.index_cast %swap3A_225 : i32 to index
      %swap3A_227 = arith.index_cast %mul3A_151 : i32 to index
      %swap3A_228 = tpu.vector_load %arg9[%swap3A_226, %swap3A_227] {strides = array<i32>} : memref<16x1024xf32, #tpu.memory_space<vmem>>, vector<1x16xf32>,
      %swap3A_229 = vector.shape_cast %swap3A_228 : vector<1x16xf32> to vector<16xf32>
      %swap3A_230 = vector.shape_cast %add3A_224 : vector<16xf32> to vector<1x16xf32>
      tpu.vector_store %arg9[%swap3A_226, %swap3A_227], %swap3A_230 {strides = array<i32>} : memref<16x1024xf32, #tpu.memory_space<vmem>>, vector<1x16xf32>,
      %get3A_231 = arith.constant 5 : i32
      %get3A_232 = arith.index_cast %get3A_231 : i32 to index
      %get3A_233 = arith.index_cast %mul3A_151 : i32 to index
      %get3A_234 = tpu.vector_load %arg9[%get3A_232, %get3A_233] {strides = array<i32>} : memref<16x1024xf32, #tpu.memory_space<vmem>>, vector<1x16xf32>,
      %get3A_235 = vector.shape_cast %get3A_234 : vector<1x16xf32> to vector<16xf32>
      %add3A_236 = arith.addf %get3A_235, %get3A_156 : vector<16xf32>
      %mul3A_237 = arith.mulf %broadcast_in_dim3A_98, %sub3A : vector<16xf32>
      %add3A_238 = arith.addf %add3A_236, %mul3A_237 : vector<16xf32>
      %swap3A_239 = arith.constant 5 : i32
      %swap3A_240 = arith.index_cast %swap3A_239 : i32 to index
      %swap3A_241 = arith.index_cast %mul3A_151 : i32 to index
      %swap3A_242 = tpu.vector_load %arg9[%swap3A_240, %swap3A_241] {strides = array<i32>} : memref<16x1024xf32, #tpu.memory_space<vmem>>, vector<1x16xf32>,
      %swap3A_243 = vector.shape_cast %swap3A_242 : vector<1x16xf32> to vector<16xf32>
      %swap3A_244 = vector.shape_cast %add3A_238 : vector<16xf32> to vector<1x16xf32>
      tpu.vector_store %arg9[%swap3A_240, %swap3A_241], %swap3A_244 {strides = array<i32>} : memref<16x1024xf32, #tpu.memory_space<vmem>>, vector<1x16xf32>,
      %get3A_245 = arith.constant 6 : i32
      %get3A_246 = arith.index_cast %get3A_245 : i32 to index
      %get3A_247 = arith.index_cast %mul3A_151 : i32 to index
      %get3A_248 = tpu.vector_load %arg9[%get3A_246, %get3A_247] {strides = array<i32>} : memref<16x1024xf32, #tpu.memory_space<vmem>>, vector<1x16xf32>,
      %get3A_249 = vector.shape_cast %get3A_248 : vector<1x16xf32> to vector<16xf32>
      %add3A_250 = arith.addf %get3A_249, %get3A_156 : vector<16xf32>
      %mul3A_251 = arith.mulf %broadcast_in_dim3A_101, %sub3A : vector<16xf32>
      %add3A_252 = arith.addf %add3A_250, %mul3A_251 : vector<16xf32>
      %swap3A_253 = arith.constant 6 : i32
      %swap3A_254 = arith.index_cast %swap3A_253 : i32 to index
      %swap3A_255 = arith.index_cast %mul3A_151 : i32 to index
      %swap3A_256 = tpu.vector_load %arg9[%swap3A_254, %swap3A_255] {strides = array<i32>} : memref<16x1024xf32, #tpu.memory_space<vmem>>, vector<1x16xf32>,
      %swap3A_257 = vector.shape_cast %swap3A_256 : vector<1x16xf32> to vector<16xf32>
      %swap3A_258 = vector.shape_cast %add3A_252 : vector<16xf32> to vector<1x16xf32>
      tpu.vector_store %arg9[%swap3A_254, %swap3A_255], %swap3A_258 {strides = array<i32>} : memref<16x1024xf32, #tpu.memory_space<vmem>>, vector<1x16xf32>,
      %get3A_259 = arith.constant 7 : i32
      %get3A_260 = arith.index_cast %get3A_259 : i32 to index
      %get3A_261 = arith.index_cast %mul3A_151 : i32 to index
      %get3A_262 = tpu.vector_load %arg9[%get3A_260, %get3A_261] {strides = array<i32>} : memref<16x1024xf32, #tpu.memory_space<vmem>>, vector<1x16xf32>,
      %get3A_263 = vector.shape_cast %get3A_262 : vector<1x16xf32> to vector<16xf32>
      %add3A_264 = arith.addf %get3A_263, %get3A_156 : vector<16xf32>
      %mul3A_265 = arith.mulf %broadcast_in_dim3A_104, %sub3A : vector<16xf32>
      %add3A_266 = arith.addf %add3A_264, %mul3A_265 : vector<16xf32>
      %swap3A_267 = arith.constant 7 : i32
      %swap3A_268 = arith.index_cast %swap3A_267 : i32 to index
      %swap3A_269 = arith.index_cast %mul3A_151 : i32 to index
      %swap3A_270 = tpu.vector_load %arg9[%swap3A_268, %swap3A_269] {strides = array<i32>} : memref<16x1024xf32, #tpu.memory_space<vmem>>, vector<1x16xf32>,
      %swap3A_271 = vector.shape_cast %swap3A_270 : vector<1x16xf32> to vector<16xf32>
      %swap3A_272 = vector.shape_cast %add3A_266 : vector<16xf32> to vector<1x16xf32>
      tpu.vector_store %arg9[%swap3A_268, %swap3A_269], %swap3A_272 {strides = array<i32>} : memref<16x1024xf32, #tpu.memory_space<vmem>>, vector<1x16xf32>,
      %get3A_273 = arith.constant 8 : i32
      %get3A_274 = arith.index_cast %get3A_273 : i32 to index
      %get3A_275 = arith.index_cast %mul3A_151 : i32 to index
      %get3A_276 = tpu.vector_load %arg9[%get3A_274, %get3A_275] {strides = array<i32>} : memref<16x1024xf32, #tpu.memory_space<vmem>>, vector<1x16xf32>,
      %get3A_277 = vector.shape_cast %get3A_276 : vector<1x16xf32> to vector<16xf32>
      %add3A_278 = arith.addf %get3A_277, %get3A_156 : vector<16xf32>
      %mul3A_279 = arith.mulf %broadcast_in_dim3A_107, %sub3A : vector<16xf32>
      %add3A_280 = arith.addf %add3A_278, %mul3A_279 : vector<16xf32>
      %swap3A_281 = arith.constant 8 : i32
      %swap3A_282 = arith.index_cast %swap3A_281 : i32 to index
      %swap3A_283 = arith.index_cast %mul3A_151 : i32 to index
      %swap3A_284 = tpu.vector_load %arg9[%swap3A_282, %swap3A_283] {strides = array<i32>} : memref<16x1024xf32, #tpu.memory_space<vmem>>, vector<1x16xf32>,
      %swap3A_285 = vector.shape_cast %swap3A_284 : vector<1x16xf32> to vector<16xf32>
      %swap3A_286 = vector.shape_cast %add3A_280 : vector<16xf32> to vector<1x16xf32>
      tpu.vector_store %arg9[%swap3A_282, %swap3A_283], %swap3A_286 {strides = array<i32>} : memref<16x1024xf32, #tpu.memory_space<vmem>>, vector<1x16xf32>,
      %get3A_287 = arith.constant 9 : i32
      %get3A_288 = arith.index_cast %get3A_287 : i32 to index
      %get3A_289 = arith.index_cast %mul3A_151 : i32 to index
      %get3A_290 = tpu.vector_load %arg9[%get3A_288, %get3A_289] {strides = array<i32>} : memref<16x1024xf32, #tpu.memory_space<vmem>>, vector<1x16xf32>,
      %get3A_291 = vector.shape_cast %get3A_290 : vector<1x16xf32> to vector<16xf32>
      %add3A_292 = arith.addf %get3A_291, %get3A_156 : vector<16xf32>
      %mul3A_293 = arith.mulf %broadcast_in_dim3A_110, %sub3A : vector<16xf32>
      %add3A_294 = arith.addf %add3A_292, %mul3A_293 : vector<16xf32>
      %swap3A_295 = arith.constant 9 : i32
      %swap3A_296 = arith.index_cast %swap3A_295 : i32 to index
      %swap3A_297 = arith.index_cast %mul3A_151 : i32 to index
      %swap3A_298 = tpu.vector_load %arg9[%swap3A_296, %swap3A_297] {strides = array<i32>} : memref<16x1024xf32, #tpu.memory_space<vmem>>, vector<1x16xf32>,
      %swap3A_299 = vector.shape_cast %swap3A_298 : vector<1x16xf32> to vector<16xf32>
      %swap3A_300 = vector.shape_cast %add3A_294 : vector<16xf32> to vector<1x16xf32>
      tpu.vector_store %arg9[%swap3A_296, %swap3A_297], %swap3A_300 {strides = array<i32>} : memref<16x1024xf32, #tpu.memory_space<vmem>>, vector<1x16xf32>,
      %get3A_301 = arith.constant 10 : i32
      %get3A_302 = arith.index_cast %get3A_301 : i32 to index
      %get3A_303 = arith.index_cast %mul3A_151 : i32 to index
      %get3A_304 = tpu.vector_load %arg9[%get3A_302, %get3A_303] {strides = array<i32>} : memref<16x1024xf32, #tpu.memory_space<vmem>>, vector<1x16xf32>,
      %get3A_305 = vector.shape_cast %get3A_304 : vector<1x16xf32> to vector<16xf32>
      %add3A_306 = arith.addf %get3A_305, %get3A_156 : vector<16xf32>
      %mul3A_307 = arith.mulf %broadcast_in_dim3A_113, %sub3A : vector<16xf32>
      %add3A_308 = arith.addf %add3A_306, %mul3A_307 : vector<16xf32>
      %swap3A_309 = arith.constant 10 : i32
      %swap3A_310 = arith.index_cast %swap3A_309 : i32 to index
      %swap3A_311 = arith.index_cast %mul3A_151 : i32 to index
      %swap3A_312 = tpu.vector_load %arg9[%swap3A_310, %swap3A_311] {strides = array<i32>} : memref<16x1024xf32, #tpu.memory_space<vmem>>, vector<1x16xf32>,
      %swap3A_313 = vector.shape_cast %swap3A_312 : vector<1x16xf32> to vector<16xf32>
      %swap3A_314 = vector.shape_cast %add3A_308 : vector<16xf32> to vector<1x16xf32>
      tpu.vector_store %arg9[%swap3A_310, %swap3A_311], %swap3A_314 {strides = array<i32>} : memref<16x1024xf32, #tpu.memory_space<vmem>>, vector<1x16xf32>,
      %get3A_315 = arith.constant 11 : i32
      %get3A_316 = arith.index_cast %get3A_315 : i32 to index
      %get3A_317 = arith.index_cast %mul3A_151 : i32 to index
      %get3A_318 = tpu.vector_load %arg9[%get3A_316, %get3A_317] {strides = array<i32>} : memref<16x1024xf32, #tpu.memory_space<vmem>>, vector<1x16xf32>,
      %get3A_319 = vector.shape_cast %get3A_318 : vector<1x16xf32> to vector<16xf32>
      %add3A_320 = arith.addf %get3A_319, %get3A_156 : vector<16xf32>
      %mul3A_321 = arith.mulf %broadcast_in_dim3A_116, %sub3A : vector<16xf32>
      %add3A_322 = arith.addf %add3A_320, %mul3A_321 : vector<16xf32>
      %swap3A_323 = arith.constant 11 : i32
      %swap3A_324 = arith.index_cast %swap3A_323 : i32 to index
      %swap3A_325 = arith.index_cast %mul3A_151 : i32 to index
      %swap3A_326 = tpu.vector_load %arg9[%swap3A_324, %swap3A_325] {strides = array<i32>} : memref<16x1024xf32, #tpu.memory_space<vmem>>, vector<1x16xf32>,
      %swap3A_327 = vector.shape_cast %swap3A_326 : vector<1x16xf32> to vector<16xf32>
      %swap3A_328 = vector.shape_cast %add3A_322 : vector<16xf32> to vector<1x16xf32>
      tpu.vector_store %arg9[%swap3A_324, %swap3A_325], %swap3A_328 {strides = array<i32>} : memref<16x1024xf32, #tpu.memory_space<vmem>>, vector<1x16xf32>,
      %get3A_329 = arith.constant 12 : i32
      %get3A_330 = arith.index_cast %get3A_329 : i32 to index
      %get3A_331 = arith.index_cast %mul3A_151 : i32 to index
      %get3A_332 = tpu.vector_load %arg9[%get3A_330, %get3A_331] {strides = array<i32>} : memref<16x1024xf32, #tpu.memory_space<vmem>>, vector<1x16xf32>,
      %get3A_333 = vector.shape_cast %get3A_332 : vector<1x16xf32> to vector<16xf32>
      %add3A_334 = arith.addf %get3A_333, %get3A_156 : vector<16xf32>
      %mul3A_335 = arith.mulf %broadcast_in_dim3A_119, %sub3A : vector<16xf32>
      %add3A_336 = arith.addf %add3A_334, %mul3A_335 : vector<16xf32>
      %swap3A_337 = arith.constant 12 : i32
      %swap3A_338 = arith.index_cast %swap3A_337 : i32 to index
      %swap3A_339 = arith.index_cast %mul3A_151 : i32 to index
      %swap3A_340 = tpu.vector_load %arg9[%swap3A_338, %swap3A_339] {strides = array<i32>} : memref<16x1024xf32, #tpu.memory_space<vmem>>, vector<1x16xf32>,
      %swap3A_341 = vector.shape_cast %swap3A_340 : vector<1x16xf32> to vector<16xf32>
      %swap3A_342 = vector.shape_cast %add3A_336 : vector<16xf32> to vector<1x16xf32>
      tpu.vector_store %arg9[%swap3A_338, %swap3A_339], %swap3A_342 {strides = array<i32>} : memref<16x1024xf32, #tpu.memory_space<vmem>>, vector<1x16xf32>,
      %get3A_343 = arith.constant 13 : i32
      %get3A_344 = arith.index_cast %get3A_343 : i32 to index
      %get3A_345 = arith.index_cast %mul3A_151 : i32 to index
      %get3A_346 = tpu.vector_load %arg9[%get3A_344, %get3A_345] {strides = array<i32>} : memref<16x1024xf32, #tpu.memory_space<vmem>>, vector<1x16xf32>,
      %get3A_347 = vector.shape_cast %get3A_346 : vector<1x16xf32> to vector<16xf32>
      %add3A_348 = arith.addf %get3A_347, %get3A_156 : vector<16xf32>
      %mul3A_349 = arith.mulf %broadcast_in_dim3A_122, %sub3A : vector<16xf32>
      %add3A_350 = arith.addf %add3A_348, %mul3A_349 : vector<16xf32>
      %swap3A_351 = arith.constant 13 : i32
      %swap3A_352 = arith.index_cast %swap3A_351 : i32 to index
      %swap3A_353 = arith.index_cast %mul3A_151 : i32 to index
      %swap3A_354 = tpu.vector_load %arg9[%swap3A_352, %swap3A_353] {strides = array<i32>} : memref<16x1024xf32, #tpu.memory_space<vmem>>, vector<1x16xf32>,
      %swap3A_355 = vector.shape_cast %swap3A_354 : vector<1x16xf32> to vector<16xf32>
      %swap3A_356 = vector.shape_cast %add3A_350 : vector<16xf32> to vector<1x16xf32>
      tpu.vector_store %arg9[%swap3A_352, %swap3A_353], %swap3A_356 {strides = array<i32>} : memref<16x1024xf32, #tpu.memory_space<vmem>>, vector<1x16xf32>,
      %get3A_357 = arith.constant 14 : i32
      %get3A_358 = arith.index_cast %get3A_357 : i32 to index
      %get3A_359 = arith.index_cast %mul3A_151 : i32 to index
      %get3A_360 = tpu.vector_load %arg9[%get3A_358, %get3A_359] {strides = array<i32>} : memref<16x1024xf32, #tpu.memory_space<vmem>>, vector<1x16xf32>,
      %get3A_361 = vector.shape_cast %get3A_360 : vector<1x16xf32> to vector<16xf32>
      %add3A_362 = arith.addf %get3A_361, %get3A_156 : vector<16xf32>
      %mul3A_363 = arith.mulf %broadcast_in_dim3A_125, %sub3A : vector<16xf32>
      %add3A_364 = arith.addf %add3A_362, %mul3A_363 : vector<16xf32>
      %swap3A_365 = arith.constant 14 : i32
      %swap3A_366 = arith.index_cast %swap3A_365 : i32 to index
      %swap3A_367 = arith.index_cast %mul3A_151 : i32 to index
      %swap3A_368 = tpu.vector_load %arg9[%swap3A_366, %swap3A_367] {strides = array<i32>} : memref<16x1024xf32, #tpu.memory_space<vmem>>, vector<1x16xf32>,
      %swap3A_369 = vector.shape_cast %swap3A_368 : vector<1x16xf32> to vector<16xf32>
      %swap3A_370 = vector.shape_cast %add3A_364 : vector<16xf32> to vector<1x16xf32>
      tpu.vector_store %arg9[%swap3A_366, %swap3A_367], %swap3A_370 {strides = array<i32>} : memref<16x1024xf32, #tpu.memory_space<vmem>>, vector<1x16xf32>,
      %get3A_371 = arith.constant 15 : i32
      %get3A_372 = arith.index_cast %get3A_371 : i32 to index
      %get3A_373 = arith.index_cast %mul3A_151 : i32 to index
      %get3A_374 = tpu.vector_load %arg9[%get3A_372, %get3A_373] {strides = array<i32>} : memref<16x1024xf32, #tpu.memory_space<vmem>>, vector<1x16xf32>,
      %get3A_375 = vector.shape_cast %get3A_374 : vector<1x16xf32> to vector<16xf32>
      %add3A_376 = arith.addf %get3A_375, %get3A_156 : vector<16xf32>
      %mul3A_377 = arith.mulf %broadcast_in_dim3A_128, %sub3A : vector<16xf32>
      %add3A_378 = arith.addf %add3A_376, %mul3A_377 : vector<16xf32>
      %swap3A_379 = arith.constant 15 : i32
      %swap3A_380 = arith.index_cast %swap3A_379 : i32 to index
      %swap3A_381 = arith.index_cast %mul3A_151 : i32 to index
      %swap3A_382 = tpu.vector_load %arg9[%swap3A_380, %swap3A_381] {strides = array<i32>} : memref<16x1024xf32, #tpu.memory_space<vmem>>, vector<1x16xf32>,
      %swap3A_383 = vector.shape_cast %swap3A_382 : vector<1x16xf32> to vector<16xf32>
      %swap3A_384 = vector.shape_cast %add3A_378 : vector<16xf32> to vector<1x16xf32>
      tpu.vector_store %arg9[%swap3A_380, %swap3A_381], %swap3A_384 {strides = array<i32>} : memref<16x1024xf32, #tpu.memory_space<vmem>>, vector<1x16xf32>,
    }
    %scan3A_134 = arith.constant 64 : i32
    %add3A_135 = arith.constant 16 : i32
    %add3A_136 = arith.addi %mul3A_2, %add3A_135 : i32
    %dma_start3A_137 = arith.constant 0 : i32
    %dma_start3A_138 = tpu.memref_slice %arg5[%add3A_136, %dma_start3A_137] : memref<1024x1024xf32, #tpu.memory_space<hbm>> -> memref<16x1024xf32, #tpu.memory_space<hbm>>
    %dma_start3A_139 = arith.constant 0 : i32
    %dma_start3A_140 = tpu.memref_slice %arg5[%add3A_136, %dma_start3A_139] : memref<1024x1024xf32, #tpu.memory_space<hbm>> -> memref<16x1024xf32, #tpu.memory_space<hbm>>
    tpu.enqueue_dma source(%arg9 : memref<16x1024xf32, #tpu.memory_space<vmem>>) target(%dma_start3A_140 : memref<16x1024xf32, #tpu.memory_space<hbm>>) target_semaphore(%arg13 : memref<!tpu.dma_semaphore, #tpu.memory_space<semaphore_mem>>)
    %dma_wait3A_141 = arith.constant 0 : i32
    %dma_wait3A_142 = tpu.memref_slice %arg5[%add3A_68, %dma_wait3A_141] : memref<1024x1024xf32, #tpu.memory_space<hbm>> -> memref<16x1024xf32, #tpu.memory_space<hbm>>
    %dma_wait3A_143 = arith.constant 0 : i32
    %dma_wait3A_144 = tpu.memref_slice %arg5[%add3A_68, %dma_wait3A_143] : memref<1024x1024xf32, #tpu.memory_space<hbm>> -> memref<16x1024xf32, #tpu.memory_space<hbm>>
    tpu.wait_dma2 semaphore(%arg12 : memref<!tpu.dma_semaphore, #tpu.memory_space<semaphore_mem>>) src(%arg8 : memref<16x1024xf32, #tpu.memory_space<vmem>>) dst(%dma_wait3A_144 : memref<16x1024xf32, #tpu.memory_space<hbm>>)
    %dma_wait3A_145 = arith.constant 0 : i32
    %dma_wait3A_146 = tpu.memref_slice %arg5[%add3A_136, %dma_wait3A_145] : memref<1024x1024xf32, #tpu.memory_space<hbm>> -> memref<16x1024xf32, #tpu.memory_space<hbm>>
    %dma_wait3A_147 = arith.constant 0 : i32
    %dma_wait3A_148 = tpu.memref_slice %arg5[%add3A_136, %dma_wait3A_147] : memref<1024x1024xf32, #tpu.memory_space<hbm>> -> memref<16x1024xf32, #tpu.memory_space<hbm>>
    tpu.wait_dma2 semaphore(%arg13 : memref<!tpu.dma_semaphore, #tpu.memory_space<semaphore_mem>>) src(%arg9 : memref<16x1024xf32, #tpu.memory_space<vmem>>) dst(%dma_wait3A_148 : memref<16x1024xf32, #tpu.memory_space<hbm>>)
    return
  }
}

module attributes {stable_mosaic.version = 14 : i64} {
  func.func @_tc_body(%arg0: i32, %arg1: memref<1x256xi32, #tpu.memory_space<vmem>>, %arg2: memref<2x1024xf32, #tpu.memory_space<vmem>>, %arg3: memref<256x1024xf32, #tpu.memory_space<vmem>>, %arg4: memref<256x1024xf32, #tpu.memory_space<vmem>>) attributes {dimension_semantics = [#tpu.dimension_semantics<arbitrary>], iteration_bounds = array<i64: 12>, scalar_prefetch = 0 : i64, scratch_operands = 0 : i64, tpu.core_type = #tpu.core_type<tc>, window_params = [{transform_indices = @transform_0, window_bounds = array<i64: 1, 256>}, {pipeline_mode = #tpu.pipeline_mode<synchronous>, transform_indices = @transform_1, window_bounds = array<i64: 2, 1024>}, {transform_indices = @transform_2, window_bounds = array<i64: 256, 1024>}, {transform_indices = @transform_3, window_bounds = array<i64: 256, 1024>}]} {
    %get3A = arith.constant 0 : index
    %get3A_0 = arith.constant 0 : index
    %get3A_1 = vector.load %arg1[%get3A, %get3A_0] : memref<1x256xi32, #tpu.memory_space<vmem>>, vector<1x256xi32>
    %convert_element_type3A = arith.sitofp %get3A_1 : vector<1x256xi32> to vector<1x256xf32>
    %get3A_2 = arith.constant 0 : index
    %get3A_3 = arith.constant 0 : index
    %get3A_4 = vector.load %arg2[%get3A_2, %get3A_3] : memref<2x1024xf32, #tpu.memory_space<vmem>>, vector<1x1024xf32>
    %get3A_5 = vector.shape_cast %get3A_4 : vector<1x1024xf32> to vector<1024xf32>
    %broadcast_in_dim3A = vector.shape_cast %get3A_5 : vector<1024xf32> to vector<1x1024xf32>
    %get3A_6 = arith.constant 1 : index
    %get3A_7 = arith.constant 0 : index
    %get3A_8 = vector.load %arg2[%get3A_6, %get3A_7] : memref<2x1024xf32, #tpu.memory_space<vmem>>, vector<1x1024xf32>
    %get3A_9 = vector.shape_cast %get3A_8 : vector<1x1024xf32> to vector<1024xf32>
    %broadcast_in_dim3A_10 = vector.shape_cast %get3A_9 : vector<1024xf32> to vector<1x1024xf32>
    %sub3A = arith.subf %broadcast_in_dim3A_10, %broadcast_in_dim3A : vector<1x1024xf32>
    %dot_general3A = arith.constant dense<0.000000e+00> : vector<256x1024xf32>
    %dot_general3A_11 = tpu.matmul %convert_element_type3A, %sub3A, %dot_general3A {dimension_numbers = #tpu.dot_dimension_numbers<[0], [0], [1], [1], [0, 1, 1, 1], [], []>, precision = #tpu.contract_precision<fp32>, transpose_lhs_hint = false} : vector<1x256xf32>, vector<1x1024xf32>, vector<256x1024xf32> -> vector<256x1024xf32>
    %get3A_12 = arith.constant 0 : index
    %get3A_13 = arith.constant 0 : index
    %get3A_14 = vector.load %arg3[%get3A_12, %get3A_13] : memref<256x1024xf32, #tpu.memory_space<vmem>>, vector<256x1024xf32>
    %add3A = vector.broadcast %broadcast_in_dim3A : vector<1x1024xf32> to vector<256x1024xf32>
    %add3A_15 = arith.addf %get3A_14, %add3A : vector<256x1024xf32>
    %add3A_16 = arith.addf %add3A_15, %dot_general3A_11 : vector<256x1024xf32>
    %swap3A = arith.constant 0 : index
    %swap3A_17 = arith.constant 0 : index
    %swap3A_18 = vector.load %arg4[%swap3A, %swap3A_17] : memref<256x1024xf32, #tpu.memory_space<vmem>>, vector<256x1024xf32>
    tpu.vector_store %arg4[%swap3A, %swap3A_17], %add3A_16 {strides = array<i32>} : memref<256x1024xf32, #tpu.memory_space<vmem>>, vector<256x1024xf32>,
    return
  }
  func.func @transform_0(%arg0: i32) -> (i32, i32) {
    %add3A = arith.constant 4 : i32
    %add3A_0 = arith.addi %arg0, %add3A : i32
    %c0_i32 = arith.constant 0 : i32
    %c0_i32_1 = arith.constant 0 : i32
    return %c0_i32, %add3A_0 : i32, i32
  }
  func.func @transform_1(%arg0: i32) -> (i32, i32) {
    %c0_i32 = arith.constant 0 : i32
    %c0_i32_0 = arith.constant 0 : i32
    %c0_i32_1 = arith.constant 0 : i32
    return %c0_i32, %c0_i32_0 : i32, i32
  }
  func.func @transform_2(%arg0: i32) -> (i32, i32) {
    %add3A = arith.constant 4 : i32
    %add3A_0 = arith.addi %arg0, %add3A : i32
    %c0_i32 = arith.constant 0 : i32
    %c0_i32_1 = arith.constant 0 : i32
    return %add3A_0, %c0_i32 : i32, i32
  }
  func.func @transform_3(%arg0: i32) -> (i32, i32) {
    %add3A = arith.constant 4 : i32
    %add3A_0 = arith.addi %arg0, %add3A : i32
    %c0_i32 = arith.constant 0 : i32
    %c0_i32_1 = arith.constant 0 : i32
    return %add3A_0, %c0_i32 : i32, i32
  }
}

</mosaic_0001>

<sc_bundles>
// kernel: _encode.4.cloned.1.call-start
scs
__scs_entry_jumppad:
0x0: {  	(pc) =	sbr.rel $0x88, $3  }
0x1: {  	(tag) =	ssettag $0x0;
	lr =	simm.s32 $0x1  }
0x2: {  	[smem:$0x3F9D] =	sst lr;
	_ =	strace $0xD0000000  }
0x3: {  	_ = 	snop  }
0x4: {  	_ = 	snop  }
0x5: {  	_ = 	snop  }
0x6: {  	_ = 	snop  }
0x7: {  	_ = 	snop  }
__scs_overlays_trampoline_lowered:
0x8: {  	[smem:$0x3FAC] =	sst s0  }
0x9: {  	[smem:$0x3FAD] =	sst s1  }
0xa: {  	[smem:$0x3FAE] =	sst s2  }
0xb: {  	[smem:$0x3FAF] =	sst s3  }
0xc: {  	[smem:$0x3FB0] =	sst s4  }
0xd: {  	[smem:$0x3FB1] =	sst s5  }
0xe: {  	[smem:$0x3FB2] =	sst s6  }
0xf: {  	[smem:$0x3FB3] =	sst s7  }
0x10: {  	[smem:$0x3FB4] =	sst s8  }
0x11: {  	[smem:$0x3FB5] =	sst s9;
	s0 =	simm.s32 @!p0 $0x0  }
0x12: {  	s1 =	sld [smem:$0x3F9B];
	s0 =	simm.s32 @p0 $0x1  }
0x13: {  	[smem:$0x3FB6] =	sst s0;
	s0 =	simm.s32 @!p1 $0x0  }
0x14: {  	s2 =	sld [smem:$0x3F9A];
	s0 =	simm.s32 @p1 $0x1  }
0x15: {  	[smem:$0x3FB7] =	sst s0;
	s0 =	simm.s32 @!p2 $0x0  }
0x16: {  	s3 =	sld [smem:$0x3FDB];
	s0 =	simm.s32 @p2 $0x1  }
0x17: {  	s4 =	simm.s32 $0x1BF5;
	[smem:$0x3FB9] =	sst s0  }
0x18: {  	s0 =	sld [smem:$0x3F9C];
	_ =	swait.ge [sflag:s4], $0x0  }
0x19: {  	s7 =	sld [smem:$0x3F9D]  }
0x1a: {  	s8 =	sadd.s32 $0xFFFFE003, lr  }
0x1b: {  	s9 =	sadd.s32 $0xFFFFFEF7, lr;
	s5 =	simm.s32 $0xFFFFFFFF;
	p2 =	slt.u32 s8, $0xFFFFF086  }
0x1c: {  	p1 =	slt.u32 s9, $0xF7A;
	s5 =	simm.s32 @!p2 $0x0  }
0x1d: {  	s5 =	simm.s32 @p1 $0x1;
	p0 =	seq.s32 s7, s2  }
0x1e: {  	s7 =	smul.u32 @!p0 $0xF7A, s2;
	p2 =	seq.s32 @!p0 s5, $0x0  }
0x1f: {  	s9 =	smul.u32 $0xF7A, s1;
	s8 =	simm.s32 @!p0 $0x1BF5;
	p2 =	por !p2, p0  }
0x20: {  	[sflag:s8] =	ssyncset.s32 @!p0 $0xFFFFF086;
	s6 =	sadd.s32 @!p0 s3, s7;
	s7 =	simm.s32 @!p0 $0x108  }
0x21: {  	s3 =	sadd.s32 s3, s9;
	s6 =	sadd.s32 @!p0 $0x88, s6;
	s7 =	simm.s32 @p2 $0x1082  }
0x22: {  	[simem:s7], [sflag:s8] =	dma.local @!p0 [hbm:s6], $0xF7A  }
0x23: {  	s9 =	sor.u32 $0xD0000000, s2;
	s6 =	simm.s32 $0x108;
	_ =	swait.ge @!p0 [sflag:s8], $0x0  }
0x24: {  	s3 =	sadd.s32 $0x88, s3;
	s6 =	simm.s32 @!p1 $0x1082;
	[sflag:s4] =	ssyncset.s32 $0xFFFFF086  }
0x25: {  	[simem:s6], [sflag:s4] =	dma.local [hbm:s3], $0xF7A  }
0x26: {  	[smem:$0x3F9D] =	sst s1;
	(tag) =	ssettag s2;
	_ =	strace s9  }
0x27: {  	s1 =	sld [smem:$0x3FAD]  }
0x28: {  	s2 =	sld [smem:$0x3FAE]  }
0x29: {  	s4 =	sld [smem:$0x3FB0]  }
0x2a: {  	p0 =	seq.s32 s5, $0x0;
	s5 =	sld [smem:$0x3FB1]  }
0x2b: {  	s6 =	sld [smem:$0x3FB2]  }
0x2c: {  	s7 =	sld [smem:$0x3FB3]  }
0x2d: {  	s3 =	simm.s32 $0x108;
	s8 =	sld [smem:$0x3FB4]  }
0x2e: {  	s3 =	simm.s32 @!p0 $0x1082;
	s9 =	sld [smem:$0x3FB5]  }
0x2f: {  	lr =	sadd.s32 s0, s3;
	s0 =	sld [smem:$0x3FAC]  }
0x30: {  	s3 =	sld [smem:$0x3FAF]  }
0x31: {  	[smem:$0x3FB8] =	sst s10  }
0x32: {  	s10 =	sld [smem:$0x3FB6];
	_ =	sdelay $0x3  }
0x33: {  	p0 =	seq.s32 s10, $0x1;
	s10 =	sld [smem:$0x3FB8];
	_ =	sdelay $0x3  }
0x34: {  	[smem:$0x3FB8] =	sst s10  }
0x35: {  	s10 =	sld [smem:$0x3FB7];
	_ =	sdelay $0x3  }
0x36: {  	p1 =	seq.s32 s10, $0x1;
	s10 =	sld [smem:$0x3FB8];
	_ =	sdelay $0x3  }
0x37: {  	[smem:$0x3FB8] =	sst s10  }
0x38: {  	s10 =	sld [smem:$0x3FB9]  }
0x39: {  	_ = 	snop;
	(pc) =	sbr.ind lr, $3  }
0x3a: {  	_ = 	snop  }
0x3b: {  	_ = 	snop  }
0x3c: {  	p2 =	seq.s32 s10, $0x1;
	s10 =	sld [smem:$0x3FB8]  }
0x3d: {  	_ =	shalt  }
0x3e: {  	_ =	shalt  }
0x3f: {  	_ =	shalt  }
0x40: {  	_ =	shalt  }
0x41: {  	_ =	shalt  }
0x42: {  	_ =	shalt  }
0x43: {  	_ =	shalt  }
0x44: {  	_ =	shalt  }
0x45: {  	_ =	shalt  }
0x46: {  	_ =	shalt  }
0x47: {  	_ =	shalt  }
0x48: {  	_ =	shalt  }
0x49: {  	_ =	shalt  }
0x4a: {  	_ =	shalt  }
0x4b: {  	_ =	shalt  }
0x4c: {  	_ =	shalt  }
0x4d: {  	_ =	shalt  }
0x4e: {  	_ =	shalt  }
0x4f: {  	_ =	shalt  }
0x50: {  	_ =	shalt  }
0x51: {  	_ =	shalt  }
0x52: {  	_ =	shalt  }
0x53: {  	_ =	shalt  }
0x54: {  	_ =	shalt  }
0x55: {  	_ =	shalt  }
0x56: {  	_ =	shalt  }
0x57: {  	_ =	shalt  }
0x58: {  	_ =	shalt  }
0x59: {  	_ =	shalt  }
0x5a: {  	_ =	shalt  }
0x5b: {  	_ =	shalt  }
0x5c: {  	_ =	shalt  }
0x5d: {  	_ =	shalt  }
0x5e: {  	_ =	shalt  }
0x5f: {  	_ =	shalt  }
0x60: {  	_ =	shalt  }
0x61: {  	_ =	shalt  }
0x62: {  	_ =	shalt  }
0x63: {  	_ =	shalt  }
0x64: {  	_ =	shalt  }
0x65: {  	_ =	shalt  }
0x66: {  	_ =	shalt  }
0x67: {  	_ =	shalt  }
0x68: {  	_ =	shalt  }
0x69: {  	_ =	shalt  }
0x6a: {  	_ =	shalt  }
0x6b: {  	_ =	shalt  }
0x6c: {  	_ =	shalt  }
0x6d: {  	_ =	shalt  }
0x6e: {  	_ =	shalt  }
0x6f: {  	_ =	shalt  }
0x70: {  	_ =	shalt  }
0x71: {  	_ =	shalt  }
0x72: {  	_ =	shalt  }
0x73: {  	_ =	shalt  }
0x74: {  	_ =	shalt  }
0x75: {  	_ =	shalt  }
0x76: {  	_ =	shalt  }
0x77: {  	_ =	shalt  }
0x78: {  	_ =	shalt  }
0x79: {  	_ =	shalt  }
0x7a: {  	_ =	shalt  }
0x7b: {  	_ =	shalt  }
0x7c: {  	_ =	shalt  }
0x7d: {  	_ =	shalt  }
0x7e: {  	_ =	shalt  }
0x7f: {  	_ =	shalt  }
0x80: {  	_ =	shalt  }
0x81: {  	_ =	shalt  }
0x82: {  	_ =	shalt  }
0x83: {  	_ =	shalt  }
0x84: {  	_ =	shalt  }
0x85: {  	_ =	shalt  }
0x86: {  	_ =	shalt  }
0x87: {  	_ =	shalt  }
.Lfunc_end0:
.L_simem_size_0:
called_computation_lowered:
.L_overlay_start_0:
0x88: {  	s2 =	sld [smem:$0x3FD9]  }
0x89: {  	s3 =	sld [smem:$0x3FFE];
	_ =	sdelay $0x1  }
0x8a: {  	s1 =	srdreg.scid  }
0x8b: {  	s0 =	sand.u32 $0x1, s1  }
0x8c: {  	s17 =	sshll.u32 s0, $0xA;
	s2 =	sadd.s32 s3, s2  }
0x8d: {  	s2 =	sadd.s32 s2, s17  }
0x8e: {  	[smem:$0x3FC4] =	sst s2  }
0x8f: {  	_ = 	snop  }
0x90: {  	s2 =	sld [smem:$0x3FC9]  }
0x91: {  	s18 =	sld [smem:$0x3FC8]  }
0x92: {  	s4 =	sld [smem:$0x3FC7];
	(tm) =	ssettm $0x1  }
0x93: {  	s5 =	sld [smem:$0x3FFB];
	_ =	sdelay $0x3  }
0x94: {  	_ =	strace s5  }
0x95: {  	s5 =	sld [smem:$0x3FFC];
	_ =	sdelay $0x3  }
0x96: {  	_ =	strace s5  }
0x97: {  	s5 =	sld [smem:$0x3FFD];
	_ =	sdelay $0x3  }
0x98: {  	_ =	strace s5  }
0x99: {  	_ =	strace $0x8FFFFFFF  }
0x9a: {  	s19 =	sld [smem:$0x3FDB];
	_ =	sdelay $0x1  }
0x9b: {  	s6 =	simm.s32 $_scs_section_size  }
0x9c: {  	s7 =	simm.s32 $_size__tile_overlayer_lowered;
	s8 =	simm.s32 $_tile_overlayer_lowered  }
0x9d: {  	s22 =	simm.s32 $0x1BFF;
	s21 =	sshll.u32 s8, $0x1;
	s5 =	sadd.s32 s6, s19  }
0x9e: {  	s9 =	simm.s32 $0x0;
	s20 =	sshll.u32 s7, $0x1;
	s7 =	sadd.s32 s21, s5  }
0x9f: {  	[timem:s9], [sflag:s22] =	dma.local [hbm:s7], s20  }
0xa0: {  	_ =	swait.ge [sflag:s22], s20  }
0xa1: {  	s6 =	ssub.s32 $0x0, s20;
	[sflag:s22] =	ssyncset.done $0x0  }
0xa2: {  	[sflag:s22] =	ssyncadd.s32 s6;
	_ =	sdelay $0x1  }
0xa3: {  	s23 =	simm.s32 $0x1B8B  }
0xa4: {  	_ =	swait.ge [sflag:s23], $0x1  }
0xa5: {  	[sflag:s23] =	ssyncset.done $0x0  }
0xa6: {  	s25 =	simm.s32 $0x1B8E;
	s24 =	sld [smem:$0x3FFE];
	[sflag:s23] =	ssyncadd.s32 $0xFFFFFFFF  }
0xa7: {  	s26 =	simm.s32 $execute0_lowered;
	[smem:$0x3FD2] =	sst s25  }
0xa8: {  	s7 =	sshll.u32 s26, $0x1;
	_ =	strace $0x80000046;
	[dreg:$0x1] =	wrdreg $0xFFFFFFFF  }
0xa9: {  	s28 =	simm.s32 $_size_execute0_lowered;
	s5 =	sadd.s32 s5, s7;
	[dreg:$0x0] =	wrdreg $0x0  }
0xaa: {  	s7 =	sshll.u32 s28, $0x1;
	[dreg:$0x2] =	wrdreg s5  }
0xab: {  	[dreg:$0x3] =	wrdreg s7  }
0xac: {  	[dreg:$0x4] =	wrdreg $0xC0  }
0xad: {  	_ =	task [dreg:s9], $0x5FFFF  }
0xae: {  	[dreg:$0x1] =	wrdreg $0xFFFFFFFF  }
0xaf: {  	[dreg:$0x0] =	wrdreg $0x60  }
0xb0: {  	[dreg:$0x2] =	wrdreg s2  }
0xb1: {  	[dreg:$0x3] =	wrdreg s18  }
0xb2: {  	[dreg:$0x4] =	wrdreg s4  }
0xb3: {  	[dreg:$0x5] =	wrdreg s24  }
0xb4: {  	[dreg:$0x6] =	wrdreg $0x9  }
0xb5: {  	_ =	task.clear_ibuf [dreg:s9], $0x7FFFF;
	_ =	strace $0x90000046  }
0xb6: {  	s29 =	simm.s32 $0x9;
	_ =	strace $0x80000048  }
0xb7: {  	_ =	swait.ge [sflag:s29], $0x1  }
0xb8: {  	[sflag:s29] =	ssyncadd.s32 $0xFFFFFFFF  }
0xb9: {  	_ =	strace $0x90000048  }
0xba: {  	_ =	sfence  }
0xbb: {  	s30 =	sld [smem:$0x0];
	_ =	sdelay $0x2  }
0xbc: {  	s31 =	sshll.u32 s1, $0xD;
	s1 =	sshrl.u32 s1, $0x2  }
0xbd: {  	s3 =	sand.u32 $0x4000, s31;
	s1 =	sadd.s32 s1, s30  }
0xbe: {  	s0 =	sor.u32 s3, s0;
	s1 =	sshll.u32 s1, $0x11  }
0xbf: {  	s0 =	sor.u32 s1, s0  }
0xc0: {  	s0 =	sadd.s32 $0x8F2B, s0  }
0xc1: {  	[sflag:s0] =	ssyncadd.remote.s32 $0x1  }
0xc2: {  	_ =	sfence.sel $0xFFFF  }
0xc3: {  	[dreg:$0x0] =	wrdreg $0xFFFFFFFF;
	(pc) =	sbr.abs _section_cstart, $3  }
0xc4: {  	[dreg:$0x1] =	wrdreg $0xFFFFFFFF  }
0xc5: {  	_ =	task.clear_ibuf [dreg:s9], $0x2FFFF;
	_ =	strace $0x9FFFFFFF  }
0xc6: {  	(tm) =	ssettm $0x7FFFFFFF  }
0xc7: {  	_ =	shalt  }
tec
execute0_lowered:
.L_overlay_start_1:
0x0: {  	(tag) =	ssettag $0x1  }
0x1: {  	s4 =	rddreg [dreg:$0x0]  }
0x2: {  	s1 =	rddreg [dreg:$0x1]  }
0x3: {  	s6 =	rddreg [dreg:$0x2]  }
0x4: {  	s5 =	rddreg [dreg:$0x3]  }
0x5: {  	s0 =	rddreg [dreg:$0x4];
	s7 =	srdreg.scid  }
0x6: {  	s3 =	simm.s32 $0x0;
	s2 =	stileid.u32;
	s12 =	simm.s32 $0x880  }
0x7: {  	s13 =	simm.s32 $0x4880;
	s14 =	simm.s32 $0x1;
	s15 =	simm.s32 $0x2  }
0x8: {  	s16 =	simm.s32 $0x3;
	s17 =	simm.s32 $0x4;
	s18 =	simm.s32 $0x0  }
0x9: {  	s7 =	sand.u32 $0x1, s7;
	[smem:$0x7FF] =	sst s3;
	s8 =	sshll.u32 s2, $0x6  }
0xa: {  	s28 =	sadd.s32 $0xA00, s5;
	s9 =	sshll.u32 s7, $0x5;
	s7 =	ssub.s32 $0x2, s7  }
0xb: {  	_ =	strace $0x80000047;
	s8 =	sor.u32 s9, s8;
	s29 =	sshrl.u32 s7, $0x1  }
0xc: {  	s10 =	sshll.u32 s8, $0x7;
	s11 =	ssub.s32 s7, s29;
	s30 =	sshrl.u32 s8, $0x3  }
0xd: {  	s31 =	sor.u32 $0x800, s10;
	s4 =	sadd.s32 s4, s30;
	s5 =	sadd.s32 s6, s10  }
0xe: {  	s7 =	sadd.s32 s28, s10;
	s9 =	smax.u32 s11, $0x1;
	s10 =	simm.s32 $0x5  }
0xf: {  	s11 =	simm.s32 $0x80;
	s6 =	sadd.s32 s6, s31;
	s8 =	sadd.s32 s28, s31  }
.LBB2_1:
0x10: {  	[tilespmem:s3], [sflag:$0x5] =	stream.linear.gather [hbm4b:s4+s3], $0x20, $0x38;
	[tilespmem:$0x8880] =	vst v63  }
0x11: {  	_ =	swait.ge [sflag:s10], $0x20  }
0x12: {  	[sflag:s10] =	ssyncset.done $0x0  }
0x13: {  	[sflag:s10] =	ssyncadd.s32 $0xFFFFFFE0  }
0x14: {  	[tilespmem:s11], [sflag:$0x5] =	stream.linear.gather [hbm4b:s1+s3], $0x800, $0x38;
	[tilespmem:$0x8880] =	vst v63  }
0x15: {  	_ =	swait.ge [sflag:s10], $0x800  }
0x16: {  	[sflag:s10] =	ssyncset.done $0x0  }
0x17: {  	[sflag:s10] =	ssyncadd.s32 $0xFFFFF800  }
0x18: {  	[tilespmem:s12], [sflag:$0x1] =	stream.linear.gather [hbm4b:s5+s3], $0x4000, $0x38;
	[tilespmem:$0x8880] =	vst v63  }
0x19: {  	_ = 	snop  }
0x1a: {  	[tilespmem:s13], [sflag:$0x2] =	stream.linear.gather [hbm4b:s6+s3], $0x4000, $0x38;
	[tilespmem:$0x8880] =	vst v63  }
0x1b: {  	_ =	swait.ge [sflag:s14], $0x4000  }
0x1c: {  	s19 =	simm.s32 $0x0;
	[sflag:s14] =	ssyncset.done $0x0  }
0x1d: {  	s20 =	sand.u32 $0x70, s3;
	s19 =	sand.u32 $0xFFFFFF00, s19;
	[sflag:s14] =	ssyncadd.s32 $0xFFFFC000  }
0x1e: {  	s21 =	simm.s32 $0x0;
	s22 =	sor.u32 s20, s19;
	v0 =	vld [tilespmem:$0x0]  }
0x1f: {  	s30 =	sand.u32 $0x3FFFFC00, s21;
	v17 =	vld [tilespmem:s22+$0x80]  }
0x20: {  	s19 =	sor.u32 s20, s30;
	v1 =	vld [tilespmem:s22+$0x100]  }
0x21: {  	v13 =	vld [tilespmem:s19+$0xB80]  }
0x22: {  	v2 =	vld [tilespmem:s19+$0x980]  }
0x23: {  	v3 =	vld [tilespmem:s19+$0x900]  }
0x24: {  	v4 =	vld [tilespmem:s19+$0xA00]  }
0x25: {  	v14 =	vld [tilespmem:s19+$0xB00]  }
0x26: {  	v16 =	vld [tilespmem:s19+$0x2880]  }
0x27: {  	v22 =	vld [tilespmem:s19+$0xC00]  }
0x28: {  	v19 =	vld [tilespmem:s19+$0x2900]  }
0x29: {  	v20 =	vld [tilespmem:s19+$0x2980];
	v18 =	vsub.f32 v1, v17;
	v2 =	vadd.f32 v2, v17  }
0x2a: {  	v21 =	vld [tilespmem:s19+$0x2A00];
	v15 =	vcvt.s32.f32 v0;
	v3 =	vadd.f32 v3, v17;
	v4 =	vadd.f32 v4, v17  }
0x2b: {  	v51 =	vld [tilespmem:s19+$0x2B00];
	v14 =	vadd.f32 v14, v17;
	v13 =	vadd.f32 v13, v17  }
0x2c: {  	v22 =	vadd.f32 v22, v17;
	v16 =	vadd.f32 v16, v17;
	v12 =	vbroadcast v15, $0x2  }
0x2d: {  	v0 =	vld [tilespmem:s19+$0xA80];
	v19 =	vadd.f32 v19, v17;
	v11 =	vbroadcast v15, $0x1;
	v10 =	vbroadcast v15, $0x3  }
0x2e: {  	v20 =	vadd.f32 v20, v17;
	v8 =	vbroadcast v15, $0x4;
	v6 =	vbroadcast v15, $0x5  }
0x2f: {  	v21 =	vadd.f32 v21, v17;
	v1 =	vbroadcast v15, $0x6;
	v5 =	vmul.f32 v18, v12  }
0x30: {  	v59 =	vadd.f32 v51, v17;
	v7 =	vmul.f32 v18, v11;
	v23 =	vmul.f32 v18, v10  }
0x31: {  	v26 =	vmul.f32 v18, v8;
	v27 =	vmul.f32 v18, v6;
	v9 =	vadd.f32 v2, v5  }
0x32: {  	v52 =	vmul.f32 v18, v1;
	v25 =	vadd.f32 v0, v17;
	v7 =	vadd.f32 v3, v7  }
0x33: {  	v0 =	vbroadcast v15, $0xC;
	v5 =	vbroadcast v15, $0x7;
	v4 =	vadd.f32 v4, v23;
	[tilespmem:s19+$0x980] =	vst v9  }
0x34: {  	v24 =	vld [tilespmem:s19+$0x2A80];
	v2 =	vbroadcast v15, $0x8;
	v3 =	vbroadcast v15, $0xA;
	v14 =	vadd.f32 v14, v27;
	[tilespmem:s19+$0x900] =	vst v7  }
0x35: {  	v13 =	vadd.f32 v13, v52;
	v9 =	vbroadcast v15, $0x9;
	[tilespmem:s19+$0xA00] =	vst v4;
	v53 =	vmul.f32 v18, v5  }
0x36: {  	v25 =	vadd.f32 v25, v26;
	v58 =	vmul.f32 v18, v0;
	[tilespmem:s19+$0xB00] =	vst v14;
	v14 =	vmul.f32 v18, v3  }
0x37: {  	v28 =	vld [tilespmem:s19+$0x2B80];
	v7 =	vbroadcast v15, $0xB;
	[tilespmem:s19+$0xB80] =	vst v13;
	v29 =	vmul.f32 v18, v9;
	v22 =	vadd.f32 v22, v53  }
0x38: {  	v55 =	vld [tilespmem:s19+$0x2C00];
	v4 =	vbroadcast v15, $0xD;
	v54 =	vmul.f32 v18, v2;
	[tilespmem:s19+$0xA80] =	vst v25;
	v14 =	vadd.f32 v20, v14  }
0x39: {  	v57 =	vld [tilespmem:s19+$0x880];
	v13 =	vbroadcast v15, $0xE;
	v20 =	vadd.f32 v24, v17;
	v19 =	vadd.f32 v19, v29;
	[tilespmem:s19+$0xC00] =	vst v22  }
0x3a: {  	v16 =	vadd.f32 v16, v54;
	v56 =	vmul.f32 v18, v7;
	[tilespmem:s19+$0x2980] =	vst v14;
	v14 =	vbroadcast v15, $0x0  }
0x3b: {  	v20 =	vadd.f32 v20, v58;
	v15 =	vbroadcast v15, $0xF;
	[tilespmem:s19+$0x2900] =	vst v19;
	v19 =	vmul.f32 v18, v4  }
0x3c: {  	s31 =	simm.s32 $0x80;
	s20 =	simm.s32 $0x10;
	v61 =	vadd.f32 v28, v17;
	v60 =	vmul.f32 v18, v13;
	[tilespmem:s19+$0x2880] =	vst v16;
	v16 =	vadd.f32 v21, v56  }
0x3d: {  	s21 =	sand.u32 $0x3FFFFC00, s31;
	s23 =	sand.u32 $0x70, s20;
	v62 =	vadd.f32 v55, v17;
	[tilespmem:s19+$0x2A80] =	vst v20;
	v20 =	vmul.f32 v18, v15;
	v19 =	vadd.f32 v59, v19  }
0x3e: {  	s22 =	sor.u32 s23, s21;
	v63 =	vadd.f32 v57, v17;
	v22 =	vadd.f32 v61, v60;
	[tilespmem:s19+$0x2A00] =	vst v16;
	v18 =	vmul.f32 v18, v14  }
0x3f: {  	v16 =	vld [tilespmem:s22+$0xB80];
	[tilespmem:s19+$0x2B00] =	vst v19;
	v19 =	vadd.f32 v62, v20  }
0x40: {  	s24 =	simm.s32 $0x20;
	s21 =	simm.s32 $0x2;
	v18 =	vadd.f32 v18, v63;
	v17 =	vld [tilespmem:s22+$0xA80];
	[tilespmem:s19+$0x2B80] =	vst v22  }
.LBB2_2:
0x41: {  	p0 =	sne.s32 s21, $0x3F;
	s24 =	sand.u32 $0xFFFFFF00, s24;
	v20 =	vld [tilespmem:s22+$0xA00];
	[tilespmem:s19+$0x2C00] =	vst v19  }
0x42: {  	s23 =	sor.u32 s23, s24;
	v19 =	vld [tilespmem:s22+$0x900];
	[tilespmem:s19+$0x880] =	vst v18;
	s19 =	smov.u32 s22  }
0x43: {  	v18 =	vld [tilespmem:s23+$0x80]  }
0x44: {  	v21 =	vld [tilespmem:s23+$0x100]  }
0x45: {  	v22 =	vld [tilespmem:s19+$0xB00]  }
0x46: {  	v23 =	vld [tilespmem:s19+$0x980]  }
0x47: {  	v24 =	vld [tilespmem:s19+$0xC00]  }
0x48: {  	v19 =	vadd.f32 v19, v18;
	v20 =	vadd.f32 v20, v18  }
0x49: {  	v17 =	vadd.f32 v17, v18;
	v21 =	vsub.f32 v21, v18  }
0x4a: {  	v16 =	vadd.f32 v16, v18;
	v22 =	vadd.f32 v22, v18  }
0x4b: {  	v25 =	vmul.f32 v21, v11;
	v23 =	vadd.f32 v23, v18;
	v26 =	vmul.f32 v21, v12;
	v27 =	vld [tilespmem:s19+$0x2880]  }
0x4c: {  	v28 =	vmul.f32 v21, v10;
	v29 =	vmul.f32 v21, v8;
	v24 =	vadd.f32 v24, v18;
	v30 =	vld [tilespmem:s19+$0x2900]  }
0x4d: {  	v19 =	vadd.f32 v19, v25;
	v23 =	vadd.f32 v23, v26;
	v25 =	vmul.f32 v21, v6;
	v26 =	vld [tilespmem:s19+$0x2980]  }
0x4e: {  	v20 =	vadd.f32 v20, v28;
	v17 =	vadd.f32 v17, v29;
	v28 =	vmul.f32 v21, v1;
	v29 =	vld [tilespmem:s19+$0x2A00]  }
0x4f: {  	[tilespmem:s19+$0x980] =	vst v23;
	v22 =	vadd.f32 v22, v25;
	v23 =	vmul.f32 v21, v5;
	v25 =	vmul.f32 v21, v2;
	v31 =	vld [tilespmem:s19+$0x2A80]  }
0x50: {  	v16 =	vadd.f32 v16, v28;
	[tilespmem:s19+$0x900] =	vst v19;
	v19 =	vadd.f32 v27, v18;
	v27 =	vmul.f32 v21, v9;
	v28 =	vld [tilespmem:s19+$0x2B00]  }
0x51: {  	[tilespmem:s19+$0xA00] =	vst v20;
	v20 =	vadd.f32 v24, v23;
	v23 =	vadd.f32 v30, v18;
	v24 =	vmul.f32 v21, v3;
	v30 =	vld [tilespmem:s19+$0x2B80]  }
0x52: {  	[tilespmem:s19+$0xA80] =	vst v17;
	v17 =	vadd.f32 v19, v25;
	v19 =	vadd.f32 v26, v18;
	v25 =	vmul.f32 v21, v7;
	v26 =	vld [tilespmem:s19+$0x2C00]  }
0x53: {  	v32 =	vld [tilespmem:s19+$0x880];
	[tilespmem:s19+$0xB00] =	vst v22;
	v22 =	vadd.f32 v23, v27;
	v23 =	vadd.f32 v29, v18;
	v27 =	vmul.f32 v21, v0  }
0x54: {  	[tilespmem:s19+$0xB80] =	vst v16;
	v16 =	vadd.f32 v19, v24;
	v19 =	vadd.f32 v31, v18;
	v24 =	vmul.f32 v21, v4  }
0x55: {  	[tilespmem:s19+$0xC00] =	vst v20;
	v20 =	vadd.f32 v23, v25;
	v23 =	vadd.f32 v28, v18;
	v25 =	vmul.f32 v21, v13  }
0x56: {  	[tilespmem:s19+$0x2880] =	vst v17;
	v17 =	vadd.f32 v19, v27;
	v19 =	vadd.f32 v30, v18;
	v27 =	vmul.f32 v21, v15  }
0x57: {  	v21 =	vmul.f32 v21, v14;
	[tilespmem:s19+$0x2900] =	vst v22;
	v22 =	vadd.f32 v23, v24;
	v23 =	vadd.f32 v26, v18  }
.Ltmp0:
0x58: {  	s20 =	sadd.s32 $0x10, s20;
	s24 =	sshll.u32 s21, $0x7;
	v18 =	vadd.f32 v32, v18;
	[tilespmem:s19+$0x2980] =	vst v16;
	v24 =	vadd.f32 v19, v25;
	(pc) =	sbr.rel @p0 .LBB2_2-.Ltmp0, $4  }
0x59: {  	s22 =	sand.u32 $0x3FFFFC00, s24;
	s23 =	sand.u32 $0x70, s20;
	[tilespmem:s19+$0x2A00] =	vst v20;
	v19 =	vadd.f32 v23, v27  }
0x5a: {  	s22 =	sor.u32 s23, s22;
	v18 =	vadd.f32 v21, v18;
	[tilespmem:s19+$0x2A80] =	vst v17  }
0x5b: {  	v16 =	vld [tilespmem:s22+$0xB80];
	[tilespmem:s19+$0x2B00] =	vst v22  }
0x5c: {  	s21 =	sadd.s32 $0x1, s21;
	s24 =	sshra.s32 s24, $0x2;
	v17 =	vld [tilespmem:s22+$0xA80];
	[tilespmem:s19+$0x2B80] =	vst v24  }
0x5d: {  	v20 =	vld [tilespmem:s22+$0xA00];
	s20 =	sand.u32 $0xFFFFFF00, s24;
	[tilespmem:s19+$0x2C00] =	vst v19  }
0x5e: {  	[tilespmem:s19+$0x880] =	vst v18;
	s20 =	sor.u32 s23, s20  }
0x5f: {  	v18 =	vld [tilespmem:s20+$0x80]  }
0x60: {  	v19 =	vld [tilespmem:s20+$0x100];
	_ =	sdelay $0x1  }
0x61: {  	v21 =	vld [tilespmem:s22+$0x980]  }
0x62: {  	v22 =	vld [tilespmem:s22+$0x900];
	_ =	sdelay $0x1  }
0x63: {  	v19 =	vsub.f32 v19, v18  }
0x64: {  	v23 =	vld [tilespmem:s22+$0xB00]  }
0x65: {  	v27 =	vld [tilespmem:s22+$0xC00];
	v21 =	vadd.f32 v21, v18;
	v12 =	vmul.f32 v19, v12  }
0x66: {  	v22 =	vadd.f32 v22, v18;
	v11 =	vmul.f32 v19, v11  }
0x67: {  	v24 =	vld [tilespmem:s22+$0x2880];
	v20 =	vadd.f32 v20, v18;
	v10 =	vmul.f32 v19, v10;
	v12 =	vadd.f32 v21, v12  }
0x68: {  	v25 =	vld [tilespmem:s22+$0x2900];
	v17 =	vadd.f32 v17, v18;
	v8 =	vmul.f32 v19, v8;
	v11 =	vadd.f32 v22, v11  }
0x69: {  	v43 =	vld [tilespmem:s22+$0x2980];
	v6 =	vmul.f32 v19, v6;
	v10 =	vadd.f32 v20, v10;
	v20 =	vadd.f32 v23, v18;
	[tilespmem:s22+$0x980] =	vst v12  }
0x6a: {  	v26 =	vld [tilespmem:s22+$0x2A00];
	v5 =	vmul.f32 v19, v5;
	v8 =	vadd.f32 v17, v8;
	v17 =	vadd.f32 v27, v18;
	[tilespmem:s22+$0x900] =	vst v11  }
0x6b: {  	v1 =	vmul.f32 v19, v1;
	v12 =	vld [tilespmem:s22+$0x2A80];
	[tilespmem:s22+$0xA00] =	vst v10;
	v10 =	vadd.f32 v16, v18;
	v6 =	vadd.f32 v20, v6  }
0x6c: {  	v2 =	vmul.f32 v19, v2;
	v11 =	vld [tilespmem:s22+$0x2B00];
	[tilespmem:s22+$0xA80] =	vst v8;
	v8 =	vadd.f32 v24, v18;
	v5 =	vadd.f32 v17, v5  }
0x6d: {  	v9 =	vmul.f32 v19, v9;
	v16 =	vld [tilespmem:s22+$0x2B80];
	v17 =	vadd.f32 v25, v18;
	v1 =	vadd.f32 v10, v1;
	[tilespmem:s22+$0xB00] =	vst v6  }
0x6e: {  	v3 =	vmul.f32 v19, v3;
	v10 =	vld [tilespmem:s22+$0x2C00];
	v2 =	vadd.f32 v8, v2;
	v6 =	vadd.f32 v43, v18;
	[tilespmem:s22+$0xC00] =	vst v5  }
0x6f: {  	v8 =	vadd.f32 v17, v9;
	v9 =	vadd.f32 v26, v18;
	[tilespmem:s22+$0xB80] =	vst v1;
	v1 =	vmul.f32 v19, v7;
	v7 =	vld [tilespmem:s22+$0x880]  }
0x70: {  	v0 =	vmul.f32 v19, v0;
	v3 =	vadd.f32 v6, v3;
	[tilespmem:s22+$0x2880] =	vst v2;
	v5 =	vadd.f32 v12, v18  }
0x71: {  	v2 =	vmul.f32 v19, v4;
	[tilespmem:s22+$0x2900] =	vst v8;
	v4 =	vadd.f32 v11, v18;
	v1 =	vadd.f32 v9, v1  }
0x72: {  	v6 =	vmul.f32 v19, v13;
	[tilespmem:s22+$0x2980] =	vst v3;
	v0 =	vadd.f32 v5, v0;
	v5 =	vadd.f32 v16, v18  }
0x73: {  	v3 =	vmul.f32 v19, v15;
	v2 =	vadd.f32 v4, v2;
	v4 =	vadd.f32 v10, v18;
	[tilespmem:s22+$0x2A00] =	vst v1  }
0x74: {  	v1 =	vmul.f32 v19, v14;
	v7 =	vadd.f32 v7, v18;
	v5 =	vadd.f32 v5, v6;
	[tilespmem:s22+$0x2A80] =	vst v0  }
0x75: {  	v0 =	vadd.f32 v4, v3;
	[tilespmem:s22+$0x2B00] =	vst v2  }
0x76: {  	v1 =	vadd.f32 v1, v7;
	[tilespmem:s22+$0x2B80] =	vst v5  }
0x77: {  	[tilespmem:s22+$0x2C00] =	vst v0  }
0x78: {  	s29 =	simm.s32 $0x0;
	[tilespmem:s22+$0x880] =	vst v1  }
0x79: {  	[hbm4b:s7+s29] =	stream.linear.scatter [tilespmem:s12], [sflag:$0x3], $0x4000, $0x38;
	[tilespmem:$0x8880] =	vst v63  }
0x7a: {  	_ =	swait.ge [sflag:s15], $0x4000  }
0x7b: {  	s30 =	simm.s32 $0x0;
	[sflag:s15] =	ssyncset.done $0x0  }
0x7c: {  	s19 =	sand.u32 $0x70, s29;
	s20 =	sand.u32 $0xFFFFFF00, s30;
	[sflag:s15] =	ssyncadd.s32 $0xFFFFC000  }
0x7d: {  	s21 =	simm.s32 $0x0;
	s20 =	sor.u32 s19, s20;
	v0 =	vld [tilespmem:$0x10]  }
0x7e: {  	s21 =	sand.u32 $0x3FFFFC00, s21;
	v17 =	vld [tilespmem:s20+$0x80]  }
0x7f: {  	s19 =	sor.u32 s19, s21;
	v1 =	vld [tilespmem:s20+$0x100]  }
0x80: {  	v13 =	vld [tilespmem:s19+$0x4B80]  }
0x81: {  	v2 =	vld [tilespmem:s19+$0x4980]  }
0x82: {  	v3 =	vld [tilespmem:s19+$0x4900]  }
0x83: {  	v4 =	vld [tilespmem:s19+$0x4A00]  }
0x84: {  	v14 =	vld [tilespmem:s19+$0x4B00]  }
0x85: {  	v16 =	vld [tilespmem:s19+$0x6880]  }
0x86: {  	v45 =	vld [tilespmem:s19+$0x4C00]  }
0x87: {  	v19 =	vld [tilespmem:s19+$0x6900]  }
0x88: {  	v20 =	vld [tilespmem:s19+$0x6980];
	v18 =	vsub.f32 v1, v17;
	v2 =	vadd.f32 v2, v17  }
0x89: {  	v44 =	vld [tilespmem:s19+$0x6A00];
	v15 =	vcvt.s32.f32 v0;
	v3 =	vadd.f32 v3, v17;
	v4 =	vadd.f32 v4, v17  }
0x8a: {  	v50 =	vld [tilespmem:s19+$0x6B00];
	v14 =	vadd.f32 v14, v17;
	v13 =	vadd.f32 v13, v17  }
0x8b: {  	v22 =	vadd.f32 v45, v17;
	v16 =	vadd.f32 v16, v17;
	v12 =	vbroadcast v15, $0x2  }
0x8c: {  	v0 =	vld [tilespmem:s19+$0x4A80];
	v19 =	vadd.f32 v19, v17;
	v11 =	vbroadcast v15, $0x1;
	v10 =	vbroadcast v15, $0x3  }
0x8d: {  	v20 =	vadd.f32 v20, v17;
	v8 =	vbroadcast v15, $0x4;
	v6 =	vbroadcast v15, $0x5  }
0x8e: {  	v21 =	vadd.f32 v44, v17;
	v1 =	vbroadcast v15, $0x6;
	v5 =	vmul.f32 v18, v12  }
0x8f: {  	v59 =	vadd.f32 v50, v17;
	v7 =	vmul.f32 v18, v11;
	v46 =	vmul.f32 v18, v10  }
0x90: {  	v49 =	vmul.f32 v18, v8;
	v51 =	vmul.f32 v18, v6;
	v9 =	vadd.f32 v2, v5  }
0x91: {  	v52 =	vmul.f32 v18, v1;
	v48 =	vadd.f32 v0, v17;
	v7 =	vadd.f32 v3, v7  }
0x92: {  	v0 =	vbroadcast v15, $0xC;
	v5 =	vbroadcast v15, $0x7;
	v4 =	vadd.f32 v4, v46;
	[tilespmem:s19+$0x4980] =	vst v9  }
0x93: {  	v47 =	vld [tilespmem:s19+$0x6A80];
	v2 =	vbroadcast v15, $0x8;
	v3 =	vbroadcast v15, $0xA;
	v14 =	vadd.f32 v14, v51;
	[tilespmem:s19+$0x4900] =	vst v7  }
0x94: {  	v13 =	vadd.f32 v13, v52;
	v9 =	vbroadcast v15, $0x9;
	[tilespmem:s19+$0x4A00] =	vst v4;
	v53 =	vmul.f32 v18, v5  }
0x95: {  	v25 =	vadd.f32 v48, v49;
	v58 =	vmul.f32 v18, v0;
	[tilespmem:s19+$0x4B00] =	vst v14;
	v14 =	vmul.f32 v18, v3  }
0x96: {  	v28 =	vld [tilespmem:s19+$0x6B80];
	v7 =	vbroadcast v15, $0xB;
	[tilespmem:s19+$0x4B80] =	vst v13;
	v29 =	vmul.f32 v18, v9;
	v22 =	vadd.f32 v22, v53  }
0x97: {  	v55 =	vld [tilespmem:s19+$0x6C00];
	v4 =	vbroadcast v15, $0xD;
	v54 =	vmul.f32 v18, v2;
	[tilespmem:s19+$0x4A80] =	vst v25;
	v14 =	vadd.f32 v20, v14  }
0x98: {  	v57 =	vld [tilespmem:s19+$0x4880];
	v13 =	vbroadcast v15, $0xE;
	v20 =	vadd.f32 v47, v17;
	v19 =	vadd.f32 v19, v29;
	[tilespmem:s19+$0x4C00] =	vst v22  }
0x99: {  	v16 =	vadd.f32 v16, v54;
	v56 =	vmul.f32 v18, v7;
	[tilespmem:s19+$0x6980] =	vst v14;
	v14 =	vbroadcast v15, $0x0  }
0x9a: {  	v20 =	vadd.f32 v20, v58;
	v15 =	vbroadcast v15, $0xF;
	[tilespmem:s19+$0x6900] =	vst v19;
	v19 =	vmul.f32 v18, v4  }
0x9b: {  	s31 =	simm.s32 $0x80;
	s20 =	simm.s32 $0x10;
	v61 =	vadd.f32 v28, v17;
	v60 =	vmul.f32 v18, v13;
	[tilespmem:s19+$0x6880] =	vst v16;
	v16 =	vadd.f32 v21, v56  }
0x9c: {  	s21 =	sand.u32 $0x3FFFFC00, s31;
	s23 =	sand.u32 $0x70, s20;
	v62 =	vadd.f32 v55, v17;
	[tilespmem:s19+$0x6A80] =	vst v20;
	v20 =	vmul.f32 v18, v15;
	v19 =	vadd.f32 v59, v19  }
0x9d: {  	s22 =	sor.u32 s23, s21;
	v63 =	vadd.f32 v57, v17;
	v22 =	vadd.f32 v61, v60;
	[tilespmem:s19+$0x6A00] =	vst v16;
	v18 =	vmul.f32 v18, v14  }
0x9e: {  	v16 =	vld [tilespmem:s22+$0x4B80];
	[tilespmem:s19+$0x6B00] =	vst v19;
	v19 =	vadd.f32 v62, v20  }
0x9f: {  	s24 =	simm.s32 $0x20;
	s21 =	simm.s32 $0x2;
	v18 =	vadd.f32 v18, v63;
	v17 =	vld [tilespmem:s22+$0x4A80];
	[tilespmem:s19+$0x6B80] =	vst v22  }
.LBB2_4:
0xa0: {  	p0 =	sne.s32 s21, $0x3F;
	s24 =	sand.u32 $0xFFFFFF00, s24;
	v20 =	vld [tilespmem:s22+$0x4A00];
	[tilespmem:s19+$0x6C00] =	vst v19  }
0xa1: {  	s23 =	sor.u32 s23, s24;
	v19 =	vld [tilespmem:s22+$0x4900];
	[tilespmem:s19+$0x4880] =	vst v18;
	s19 =	smov.u32 s22  }
0xa2: {  	v18 =	vld [tilespmem:s23+$0x80]  }
0xa3: {  	v21 =	vld [tilespmem:s23+$0x100]  }
0xa4: {  	v22 =	vld [tilespmem:s19+$0x4B00]  }
0xa5: {  	v23 =	vld [tilespmem:s19+$0x4980]  }
0xa6: {  	v24 =	vld [tilespmem:s19+$0x4C00]  }
0xa7: {  	v19 =	vadd.f32 v19, v18;
	v20 =	vadd.f32 v20, v18  }
0xa8: {  	v17 =	vadd.f32 v17, v18;
	v21 =	vsub.f32 v21, v18  }
0xa9: {  	v16 =	vadd.f32 v16, v18;
	v22 =	vadd.f32 v22, v18  }
0xaa: {  	v25 =	vmul.f32 v21, v11;
	v23 =	vadd.f32 v23, v18;
	v26 =	vmul.f32 v21, v12;
	v27 =	vld [tilespmem:s19+$0x6880]  }
0xab: {  	v28 =	vmul.f32 v21, v10;
	v29 =	vmul.f32 v21, v8;
	v24 =	vadd.f32 v24, v18;
	v30 =	vld [tilespmem:s19+$0x6900]  }
0xac: {  	v19 =	vadd.f32 v19, v25;
	v23 =	vadd.f32 v23, v26;
	v25 =	vmul.f32 v21, v6;
	v26 =	vld [tilespmem:s19+$0x6980]  }
0xad: {  	v20 =	vadd.f32 v20, v28;
	v17 =	vadd.f32 v17, v29;
	v28 =	vmul.f32 v21, v1;
	v29 =	vld [tilespmem:s19+$0x6A00]  }
0xae: {  	[tilespmem:s19+$0x4980] =	vst v23;
	v22 =	vadd.f32 v22, v25;
	v23 =	vmul.f32 v21, v5;
	v25 =	vmul.f32 v21, v2;
	v31 =	vld [tilespmem:s19+$0x6A80]  }
0xaf: {  	v16 =	vadd.f32 v16, v28;
	[tilespmem:s19+$0x4900] =	vst v19;
	v19 =	vadd.f32 v27, v18;
	v27 =	vmul.f32 v21, v9;
	v28 =	vld [tilespmem:s19+$0x6B00]  }
0xb0: {  	[tilespmem:s19+$0x4A00] =	vst v20;
	v20 =	vadd.f32 v24, v23;
	v23 =	vadd.f32 v30, v18;
	v24 =	vmul.f32 v21, v3;
	v30 =	vld [tilespmem:s19+$0x6B80]  }
0xb1: {  	[tilespmem:s19+$0x4A80] =	vst v17;
	v17 =	vadd.f32 v19, v25;
	v19 =	vadd.f32 v26, v18;
	v25 =	vmul.f32 v21, v7;
	v26 =	vld [tilespmem:s19+$0x6C00]  }
0xb2: {  	v32 =	vld [tilespmem:s19+$0x4880];
	[tilespmem:s19+$0x4B00] =	vst v22;
	v22 =	vadd.f32 v23, v27;
	v23 =	vadd.f32 v29, v18;
	v27 =	vmul.f32 v21, v0  }
0xb3: {  	[tilespmem:s19+$0x4B80] =	vst v16;
	v16 =	vadd.f32 v19, v24;
	v19 =	vadd.f32 v31, v18;
	v24 =	vmul.f32 v21, v4  }
0xb4: {  	[tilespmem:s19+$0x4C00] =	vst v20;
	v20 =	vadd.f32 v23, v25;
	v23 =	vadd.f32 v28, v18;
	v25 =	vmul.f32 v21, v13  }
0xb5: {  	[tilespmem:s19+$0x6880] =	vst v17;
	v17 =	vadd.f32 v19, v27;
	v19 =	vadd.f32 v30, v18;
	v27 =	vmul.f32 v21, v15  }
0xb6: {  	v21 =	vmul.f32 v21, v14;
	[tilespmem:s19+$0x6900] =	vst v22;
	v22 =	vadd.f32 v23, v24;
	v23 =	vadd.f32 v26, v18  }
.Ltmp1:
0xb7: {  	s20 =	sadd.s32 $0x10, s20;
	s24 =	sshll.u32 s21, $0x7;
	v18 =	vadd.f32 v32, v18;
	[tilespmem:s19+$0x6980] =	vst v16;
	v24 =	vadd.f32 v19, v25;
	(pc) =	sbr.rel @p0 .LBB2_4-.Ltmp1, $4  }
0xb8: {  	s22 =	sand.u32 $0x3FFFFC00, s24;
	s23 =	sand.u32 $0x70, s20;
	[tilespmem:s19+$0x6A00] =	vst v20;
	v19 =	vadd.f32 v23, v27  }
0xb9: {  	s22 =	sor.u32 s23, s22;
	v18 =	vadd.f32 v21, v18;
	[tilespmem:s19+$0x6A80] =	vst v17  }
0xba: {  	v16 =	vld [tilespmem:s22+$0x4B80];
	[tilespmem:s19+$0x6B00] =	vst v22  }
0xbb: {  	s21 =	sadd.s32 $0x1, s21;
	s24 =	sshra.s32 s24, $0x2;
	v17 =	vld [tilespmem:s22+$0x4A80];
	[tilespmem:s19+$0x6B80] =	vst v24  }
0xbc: {  	v20 =	vld [tilespmem:s22+$0x4A00];
	s20 =	sand.u32 $0xFFFFFF00, s24;
	[tilespmem:s19+$0x6C00] =	vst v19  }
0xbd: {  	[tilespmem:s19+$0x4880] =	vst v18;
	s20 =	sor.u32 s23, s20  }
0xbe: {  	v18 =	vld [tilespmem:s20+$0x80]  }
0xbf: {  	v19 =	vld [tilespmem:s20+$0x100];
	_ =	sdelay $0x1  }
0xc0: {  	v21 =	vld [tilespmem:s22+$0x4980]  }
0xc1: {  	v22 =	vld [tilespmem:s22+$0x4900];
	_ =	sdelay $0x1  }
0xc2: {  	v19 =	vsub.f32 v19, v18  }
0xc3: {  	v23 =	vld [tilespmem:s22+$0x4B00]  }
0xc4: {  	v21 =	vadd.f32 v21, v18;
	v12 =	vmul.f32 v19, v12  }
0xc5: {  	v40 =	vld [tilespmem:s22+$0x4C00];
	v22 =	vadd.f32 v22, v18;
	v11 =	vmul.f32 v19, v11  }
0xc6: {  	v24 =	vld [tilespmem:s22+$0x6880];
	v20 =	vadd.f32 v20, v18;
	v10 =	vmul.f32 v19, v10;
	v12 =	vadd.f32 v21, v12  }
0xc7: {  	v25 =	vld [tilespmem:s22+$0x6900];
	v17 =	vadd.f32 v17, v18;
	v8 =	vmul.f32 v19, v8;
	v11 =	vadd.f32 v22, v11  }
0xc8: {  	v39 =	vld [tilespmem:s22+$0x6980];
	v43 =	vadd.f32 v23, v18;
	v6 =	vmul.f32 v19, v6;
	v10 =	vadd.f32 v20, v10;
	[tilespmem:s22+$0x4980] =	vst v12  }
0xc9: {  	v41 =	vld [tilespmem:s22+$0x6A80];
	v44 =	vadd.f32 v16, v18;
	v1 =	vmul.f32 v19, v1;
	v8 =	vadd.f32 v17, v8;
	[tilespmem:s22+$0x4900] =	vst v11  }
0xca: {  	v48 =	vld [tilespmem:s22+$0x6C00];
	v46 =	vadd.f32 v40, v18;
	v5 =	vmul.f32 v19, v5;
	v6 =	vadd.f32 v43, v6;
	[tilespmem:s22+$0x4A00] =	vst v10  }
0xcb: {  	v26 =	vld [tilespmem:s22+$0x6A00];
	v47 =	vadd.f32 v24, v18;
	v2 =	vmul.f32 v19, v2;
	v1 =	vadd.f32 v44, v1;
	[tilespmem:s22+$0x4A80] =	vst v8  }
0xcc: {  	v42 =	vld [tilespmem:s22+$0x6B00];
	v49 =	vadd.f32 v25, v18;
	v9 =	vmul.f32 v19, v9;
	v5 =	vadd.f32 v46, v5;
	[tilespmem:s22+$0x4B00] =	vst v6  }
0xcd: {  	v45 =	vld [tilespmem:s22+$0x6B80];
	v50 =	vadd.f32 v39, v18;
	v3 =	vmul.f32 v19, v3;
	v2 =	vadd.f32 v47, v2;
	[tilespmem:s22+$0x4B80] =	vst v1  }
0xce: {  	v52 =	vld [tilespmem:s22+$0x4880];
	v55 =	vadd.f32 v41, v18;
	v0 =	vmul.f32 v19, v0;
	v53 =	vadd.f32 v49, v9;
	[tilespmem:s22+$0x4C00] =	vst v5  }
0xcf: {  	v61 =	vadd.f32 v48, v18;
	v60 =	vmul.f32 v19, v15;
	v3 =	vadd.f32 v50, v3;
	[tilespmem:s22+$0x6880] =	vst v2  }
0xd0: {  	v54 =	vadd.f32 v26, v18;
	v51 =	vmul.f32 v19, v7;
	v0 =	vadd.f32 v55, v0;
	[tilespmem:s22+$0x6900] =	vst v53  }
0xd1: {  	v57 =	vadd.f32 v42, v18;
	v56 =	vmul.f32 v19, v4;
	v63 =	vadd.f32 v61, v60;
	[tilespmem:s22+$0x6980] =	vst v3  }
0xd2: {  	v59 =	vadd.f32 v45, v18;
	v58 =	vmul.f32 v19, v13;
	v1 =	vadd.f32 v54, v51;
	[tilespmem:s22+$0x6A80] =	vst v0  }
0xd3: {  	v62 =	vmul.f32 v19, v14;
	v7 =	vadd.f32 v52, v18;
	v2 =	vadd.f32 v57, v56;
	[tilespmem:s22+$0x6C00] =	vst v63  }
0xd4: {  	v5 =	vadd.f32 v59, v58;
	[tilespmem:s22+$0x6A00] =	vst v1  }
0xd5: {  	[tilespmem:s22+$0x6B00] =	vst v2;
	v1 =	vadd.f32 v62, v7  }
0xd6: {  	[tilespmem:s22+$0x6B80] =	vst v5  }
0xd7: {  	s18 =	sadd.s32 $0x1, s18;
	[tilespmem:s22+$0x4880] =	vst v1  }
0xd8: {  	[hbm4b:s8+s3] =	stream.linear.scatter [tilespmem:s13], [sflag:$0x4], $0x4000, $0x38;
	[tilespmem:$0x8880] =	vst v63  }
0xd9: {  	p0 =	sne.s32 s18, s9;
	_ =	swait.ge [sflag:s16], $0x4000  }
.Ltmp2:
0xda: {  	[sflag:s16] =	ssyncset.done $0x0;
	(pc) =	sbr.rel @p0 .LBB2_1-.Ltmp2, $4  }
0xdb: {  	[sflag:s16] =	ssyncadd.s32 $0xFFFFC000  }
0xdc: {  	_ =	swait.ge [sflag:s17], $0x4000  }
0xdd: {  	[sflag:s17] =	ssyncset.done $0x0  }
0xde: {  	[sflag:s17] =	ssyncadd.s32 $0xFFFFC000  }
0xdf: {  	_ =	sfence.sel $0x180000  }
0xe0: {  	[bflag:$0x0] =	sbarrier.arrive $0xFFFF  }
0xe1: {  	p0 =	sne.s32 s2, $0x0;
	_ =	strace $0x90000047  }
0xe2: {  	s0 =	sadd.s32 @!p0 $0x100000, s0;
	[bflag:$0x2] =	sbarrier.arrive $0xFFFF  }
0xe3: {  	[sflag:s0] =	ssyncadd.tile.s32 @!p0 $0x1;
	_ =	shalt  }
.Lfunc_end2:
_tile_overlayer_lowered:
.L_overlay_start_2:
0xe4: {  	(tag) =	ssettag $0x2  }
0xe5: {  	s0 =	rddreg [dreg:$0x0];
	s2 =	stileid.u32  }
0xe6: {  	s1 =	rddreg [dreg:$0x1];
	p0 =	sne.s32 s2, $0x0  }
0xe7: {  	s3 =	rddreg [dreg:$0x2];
	[bflag:$0x3] =	sbarrier.arrive $0xFFFF;
	s2 =	simm.s32 @!p0 $0x1C05  }
0xe8: {  	[timem:s3], [sflag:s2] =	dma.local @!p0 [hbm:s0], s1  }
0xe9: {  	s0 =	simm.s32 @!p0 $0x5  }
0xea: {  	_ =	swait.ge @!p0 [sflag:s0], s1  }
0xeb: {  	s1 =	ssub.s32 @!p0 $0x0, s1;
	[sflag:s0] =	ssyncset.done @!p0 $0x0  }
0xec: {  	[sflag:s0] =	ssyncadd.s32 @!p0 s1  }
0xed: {  	[bflag:$0x3] =	sbarrier.arrive $0xFFFF  }
0xee: {  	_ =	shalt  }

</sc_bundles>
